<compile_context>
chip_gen: v7x
topology: tpu7x:2x2x1
jax: 0.10.2.dev20260603
libtpu: 0.0.44.dev20260713+nightly
codegen_flags: <defaults>
</compile_context>

<pallas_src>
import functools

import jax
import jax.numpy as jnp
from jax import lax
from jax.experimental import pallas as pl
from jax.experimental.pallas import tpu as pltpu
from jax.experimental.pallas import tpu_sc as plsc

DIM = 128
NC = 2
NS = 16
NW = NC * NS
B_TOTAL = 4 * 8192
B_PER_W = B_TOTAL // NW
CHUNK = 128
N_CHUNKS = B_PER_W // CHUNK

SUP = 1
N_SUP = N_CHUNKS // SUP
NBUF = 6

_mesh = plsc.VectorSubcoreMesh(core_axis_name="c", subcore_axis_name="s")


@functools.partial(
    pl.kernel,
    mesh=_mesh,
    out_type=jax.ShapeDtypeStruct((2, B_TOTAL, DIM), jnp.float32),
    scratch_types=[
        pltpu.VMEM((N_CHUNKS, CHUNK), jnp.int32),
        *([pltpu.VMEM((SUP * CHUNK, DIM), jnp.float32)] * NBUF),
        *([pltpu.SemaphoreType.DMA] * (2 * NBUF)),
    ],
)
def _rope_gather(cos_hbm, sin_hbm, idx_hbm, out_hbm, idx_v, *bufs_and_sems):
    bufs = bufs_and_sems[:NBUF]
    gsems = bufs_and_sems[NBUF:2 * NBUF]
    ssems = bufs_and_sems[2 * NBUF:]
    wid = lax.axis_index("s") * NC + lax.axis_index("c")
    base = wid * B_PER_W
    pltpu.sync_copy(idx_hbm.at[wid // 8, pl.ds((wid % 8) * 8, N_CHUNKS)], idx_v)
    tables = (cos_hbm, sin_hbm)
    items = [(t, p) for p in range(N_SUP) for t in range(2)]
    n = len(items)

    def issue_gathers(item, b):
        t, p = item
        return [
            pltpu.async_copy(tables[t].at[idx_v.at[SUP * p + u]],
                             bufs[b].at[pl.ds(u * CHUNK, CHUNK)], gsems[b])
            for u in range(SUP)
        ]

    gd = [None] * NBUF
    sd = [None] * NBUF
    for j in range(min(NBUF - 1, n)):
        gd[j] = issue_gathers(items[j], j)
    for i in range(n):
        b = i % NBUF
        j = i + NBUF - 1
        if j < n:
            jb = j % NBUF
            if sd[jb] is not None:
                sd[jb].wait()
            gd[jb] = issue_gathers(items[j], jb)
        for d in gd[b]:
            d.wait()
        t, p = items[i]
        sd[b] = pltpu.async_copy(
            bufs[b], out_hbm.at[t, pl.ds(base + p * SUP * CHUNK, SUP * CHUNK)], ssems[b])
    for b in range(NBUF):
        if sd[b] is not None:
            sd[b].wait()


def kernel(cos_cached, sin_cached, position_ids):
    idx = position_ids.reshape(4, 64, CHUNK)
    out = _rope_gather(cos_cached, sin_cached, idx)
    return out.reshape(2, 4, 8192, DIM)

# --- scband reference (transcript-rebuilt; emitter-appended) ---
"""Pipeline reference for scband-rotary-embedding-10256381903687 (READ-ONLY COPY).

The authoritative reference and input builder live on the scoring server;
editing this copy changes nothing except your own understanding.
"""

import jax, jax.numpy as jnp
import numpy as np

DIM = 128
BASE = 10000
MAX_POSITION = 8192
BATCH = 4
SEQ_LEN = 8192

def setup_inputs(seed: int = 0):
    key = jax.random.key(seed)
    inv_freq = 1.0 / (BASE ** (jnp.arange(0, DIM, 2, dtype=jnp.float32) / DIM))
    position = jnp.arange(MAX_POSITION, dtype=jnp.float32)
    freqs = jnp.einsum('i,j->ij', position, inv_freq)
    emb = jnp.concatenate((freqs, freqs), axis=-1)
    cos_cached = jnp.cos(emb)
    sin_cached = jnp.sin(emb)
    position_ids = jax.random.randint(key, (BATCH, SEQ_LEN), 0, MAX_POSITION, dtype=jnp.int32)
    return {"cos_cached": cos_cached, "sin_cached": sin_cached, "position_ids": position_ids}

def reference(cos_cached, sin_cached, position_ids):
    cos = jnp.take(cos_cached, position_ids, axis=0)
    sin = jnp.take(sin_cached, position_ids, axis=0)
    return jnp.stack([cos, sin], axis=0)

if __name__ == "__main__":
    import jax
    _d = setup_inputs()
    print(jax.jit(kernel)(*tuple(_d.values())))

</pallas_src>

<mosaic_0001>
#map = affine_map<(d0, d1) -> (0, 0)>
#map1 = affine_map<(d0, d1) -> (0, 0, 0)>
module attributes {stable_mosaic.version = 14 : i64} {
  func.func @_rope_gather(%arg0: i32, %arg1: i32, %arg2: memref<8192x128xf32, #tpu.memory_space<hbm>>, %arg3: memref<8192x128xf32, #tpu.memory_space<hbm>>, %arg4: memref<4x64x128xi32, #tpu.memory_space<hbm>>, %arg5: memref<2x32768x128xf32, #tpu.memory_space<hbm>>, %arg6: memref<8x128xi32, #tpu.memory_space<vmem>>, %arg7: memref<128x128xf32, #tpu.memory_space<vmem>>, %arg8: memref<128x128xf32, #tpu.memory_space<vmem>>, %arg9: memref<128x128xf32, #tpu.memory_space<vmem>>, %arg10: memref<128x128xf32, #tpu.memory_space<vmem>>, %arg11: memref<128x128xf32, #tpu.memory_space<vmem>>, %arg12: memref<128x128xf32, #tpu.memory_space<vmem>>, %arg13: memref<!tpu.dma_semaphore, #tpu.memory_space<semaphore_mem>>, %arg14: memref<!tpu.dma_semaphore, #tpu.memory_space<semaphore_mem>>, %arg15: memref<!tpu.dma_semaphore, #tpu.memory_space<semaphore_mem>>, %arg16: memref<!tpu.dma_semaphore, #tpu.memory_space<semaphore_mem>>, %arg17: memref<!tpu.dma_semaphore, #tpu.memory_space<semaphore_mem>>, %arg18: memref<!tpu.dma_semaphore, #tpu.memory_space<semaphore_mem>>, %arg19: memref<!tpu.dma_semaphore, #tpu.memory_space<semaphore_mem>>, %arg20: memref<!tpu.dma_semaphore, #tpu.memory_space<semaphore_mem>>, %arg21: memref<!tpu.dma_semaphore, #tpu.memory_space<semaphore_mem>>, %arg22: memref<!tpu.dma_semaphore, #tpu.memory_space<semaphore_mem>>, %arg23: memref<!tpu.dma_semaphore, #tpu.memory_space<semaphore_mem>>, %arg24: memref<!tpu.dma_semaphore, #tpu.memory_space<semaphore_mem>>) attributes {dimension_semantics = [#tpu.dimension_semantics<core_parallel>, #tpu.dimension_semantics<subcore_parallel>], iteration_bounds = array<i64: 2, 16>, scalar_prefetch = 0 : i64, scratch_operands = 19 : i64, tpu.core_type = #tpu.core_type<sc_vector_subcore>, window_params = [{transform_indices = #map}, {transform_indices = #map}, {transform_indices = #map1}, {transform_indices = #map1}]} {
    %mul3A = arith.constant 2 : i32
    %mul3A_0 = arith.muli %arg1, %mul3A : i32
    %add3A = arith.addi %mul3A_0, %arg0 : i32
    %mul3A_1 = arith.constant 1024 : i32
    %mul3A_2 = arith.muli %add3A, %mul3A_1 : i32
    %jit3A = arith.constant 8 : i32
    %div3A = arith.divsi %add3A, %jit3A : i32
    %sign3A = arith.constant 0 : i32
    %sign3A_3 = arith.cmpi sgt, %add3A, %sign3A : i32
    %sign3A_4 = arith.extui %sign3A_3 : i1 to i32
    %sign3A_5 = arith.constant 0 : i32
    %sign3A_6 = arith.cmpi slt, %add3A, %sign3A_5 : i32
    %sign3A_7 = arith.extui %sign3A_6 : i1 to i32
    %sign3A_8 = arith.subi %sign3A_4, %sign3A_7 : i32
    %sign3A_9 = arith.constant 0 : i32
    %sign3A_10 = arith.cmpi sgt, %jit3A, %sign3A_9 : i32
    %sign3A_11 = arith.extui %sign3A_10 : i1 to i32
    %sign3A_12 = arith.constant 0 : i32
    %sign3A_13 = arith.cmpi slt, %jit3A, %sign3A_12 : i32
    %sign3A_14 = arith.extui %sign3A_13 : i1 to i32
    %sign3A_15 = arith.subi %sign3A_11, %sign3A_14 : i32
    %ne3A = arith.cmpi ne, %sign3A_8, %sign3A_15 : i32
    %rem3A = arith.remsi %add3A, %jit3A : i32
    %ne3A_16 = arith.constant 0 : i32
    %ne3A_17 = arith.cmpi ne, %rem3A, %ne3A_16 : i32
    %and3A = arith.andi %ne3A, %ne3A_17 : i1
    %sub3A = arith.constant 1 : i32
    %sub3A_18 = arith.subi %div3A, %sub3A : i32
    %select_n3A = arith.select %and3A, %sub3A_18, %div3A : i32
    %jit3A_19 = arith.constant 8 : i32
    %eq3A = arith.constant 0 : i32
    %eq3A_20 = arith.cmpi eq, %jit3A_19, %eq3A : i32
    %jit3A_21 = arith.constant 1 : i32
    %select_n3A_22 = arith.select %eq3A_20, %jit3A_21, %jit3A_19 : i32
    %rem3A_23 = arith.remsi %add3A, %select_n3A_22 : i32
    %ne3A_24 = arith.constant 0 : i32
    %ne3A_25 = arith.cmpi ne, %rem3A_23, %ne3A_24 : i32
    %lt3A = arith.constant 0 : i32
    %lt3A_26 = arith.cmpi slt, %rem3A_23, %lt3A : i32
    %lt3A_27 = arith.constant 0 : i32
    %lt3A_28 = arith.cmpi slt, %select_n3A_22, %lt3A_27 : i32
    %ne3A_29 = arith.xori %lt3A_26, %lt3A_28 : i1
    %and3A_30 = arith.andi %ne3A_29, %ne3A_25 : i1
    %add3A_31 = arith.addi %rem3A_23, %select_n3A_22 : i32
    %select_n3A_32 = arith.select %and3A_30, %add3A_31, %rem3A_23 : i32
    %mul3A_33 = arith.constant 8 : i32
    %mul3A_34 = arith.muli %select_n3A_32, %mul3A_33 : i32
    "tpu.region"() ({
      %run_scoped3A = tpu.sem_alloc : memref<!tpu.dma_semaphore, #tpu.memory_space<semaphore_mem>>
      %dma_start3A_609 = arith.constant 0 : i32
      %dma_start3A_610 = tpu.memref_slice %arg4[%select_n3A, %mul3A_34, %dma_start3A_609] : memref<4x64x128xi32, #tpu.memory_space<hbm>> -> memref<1x8x128xi32, #tpu.memory_space<hbm>>
      %dma_start3A_611 = tpu.memref_squeeze %dma_start3A_610 : memref<1x8x128xi32, #tpu.memory_space<hbm>> -> memref<8x128xi32, #tpu.memory_space<hbm>>
      %dma_start3A_612 = arith.constant 0 : i32
      %dma_start3A_613 = tpu.memref_slice %arg4[%select_n3A, %mul3A_34, %dma_start3A_612] : memref<4x64x128xi32, #tpu.memory_space<hbm>> -> memref<1x8x128xi32, #tpu.memory_space<hbm>>
      %dma_start3A_614 = tpu.memref_squeeze %dma_start3A_613 : memref<1x8x128xi32, #tpu.memory_space<hbm>> -> memref<8x128xi32, #tpu.memory_space<hbm>>
      tpu.enqueue_dma source(%dma_start3A_614 : memref<8x128xi32, #tpu.memory_space<hbm>>) target(%arg6 : memref<8x128xi32, #tpu.memory_space<vmem>>) target_semaphore(%run_scoped3A : memref<!tpu.dma_semaphore, #tpu.memory_space<semaphore_mem>>)
      %dma_wait3A_615 = arith.constant 0 : i32
      %dma_wait3A_616 = tpu.memref_slice %arg4[%select_n3A, %mul3A_34, %dma_wait3A_615] : memref<4x64x128xi32, #tpu.memory_space<hbm>> -> memref<1x8x128xi32, #tpu.memory_space<hbm>>
      %dma_wait3A_617 = tpu.memref_squeeze %dma_wait3A_616 : memref<1x8x128xi32, #tpu.memory_space<hbm>> -> memref<8x128xi32, #tpu.memory_space<hbm>>
      %dma_wait3A_618 = arith.constant 0 : i32
      %dma_wait3A_619 = tpu.memref_slice %arg4[%select_n3A, %mul3A_34, %dma_wait3A_618] : memref<4x64x128xi32, #tpu.memory_space<hbm>> -> memref<1x8x128xi32, #tpu.memory_space<hbm>>
      %dma_wait3A_620 = tpu.memref_squeeze %dma_wait3A_619 : memref<1x8x128xi32, #tpu.memory_space<hbm>> -> memref<8x128xi32, #tpu.memory_space<hbm>>
      tpu.wait_dma2 semaphore(%run_scoped3A : memref<!tpu.dma_semaphore, #tpu.memory_space<semaphore_mem>>) src(%dma_wait3A_620 : memref<8x128xi32, #tpu.memory_space<hbm>>) dst(%arg6 : memref<8x128xi32, #tpu.memory_space<vmem>>)
      tpu.yield
    }) : () -> ()
    %dma_start3A = arith.constant 0 : i32
    %dma_start3A_35 = arith.constant 0 : i32
    %dma_start3A_36 = arith.constant 0 : i32
    %dma_start3A_37 = tpu.memref_slice %arg7[%dma_start3A_35, %dma_start3A_36] : memref<128x128xf32, #tpu.memory_space<vmem>> -> memref<128x128xf32, #tpu.memory_space<vmem>>
    %dma_start3A_38 = arith.constant 0 : i32
    %dma_start3A_39 = tpu.memref_slice %arg6[%dma_start3A, %dma_start3A_38] : memref<8x128xi32, #tpu.memory_space<vmem>> -> memref<1x128xi32, #tpu.memory_space<vmem>>
    %dma_start3A_40 = tpu.memref_squeeze %dma_start3A_39 : memref<1x128xi32, #tpu.memory_space<vmem>> -> memref<128xi32, #tpu.memory_space<vmem>>
    %dma_start3A_41 = arith.constant 0 : i32
    %dma_start3A_42 = arith.constant 0 : i32
    %dma_start3A_43 = tpu.memref_slice %arg2[%dma_start3A_41, %dma_start3A_42] : memref<8192x128xf32, #tpu.memory_space<hbm>> -> memref<8192x128xf32, #tpu.memory_space<hbm>>
    tpu.enqueue_indirect_dma source(%dma_start3A_43 : memref<8192x128xf32, #tpu.memory_space<hbm>>) target(%dma_start3A_37 : memref<128x128xf32, #tpu.memory_space<vmem>>) offsets(%dma_start3A_40 : memref<128xi32, #tpu.memory_space<vmem>>) semaphore(%arg13 : memref<!tpu.dma_semaphore, #tpu.memory_space<semaphore_mem>>)
    %dma_start3A_44 = arith.constant 0 : i32
    %dma_start3A_45 = arith.constant 0 : i32
    %dma_start3A_46 = arith.constant 0 : i32
    %dma_start3A_47 = tpu.memref_slice %arg8[%dma_start3A_45, %dma_start3A_46] : memref<128x128xf32, #tpu.memory_space<vmem>> -> memref<128x128xf32, #tpu.memory_space<vmem>>
    %dma_start3A_48 = arith.constant 0 : i32
    %dma_start3A_49 = tpu.memref_slice %arg6[%dma_start3A_44, %dma_start3A_48] : memref<8x128xi32, #tpu.memory_space<vmem>> -> memref<1x128xi32, #tpu.memory_space<vmem>>
    %dma_start3A_50 = tpu.memref_squeeze %dma_start3A_49 : memref<1x128xi32, #tpu.memory_space<vmem>> -> memref<128xi32, #tpu.memory_space<vmem>>
    %dma_start3A_51 = arith.constant 0 : i32
    %dma_start3A_52 = arith.constant 0 : i32
    %dma_start3A_53 = tpu.memref_slice %arg3[%dma_start3A_51, %dma_start3A_52] : memref<8192x128xf32, #tpu.memory_space<hbm>> -> memref<8192x128xf32, #tpu.memory_space<hbm>>
    tpu.enqueue_indirect_dma source(%dma_start3A_53 : memref<8192x128xf32, #tpu.memory_space<hbm>>) target(%dma_start3A_47 : memref<128x128xf32, #tpu.memory_space<vmem>>) offsets(%dma_start3A_50 : memref<128xi32, #tpu.memory_space<vmem>>) semaphore(%arg14 : memref<!tpu.dma_semaphore, #tpu.memory_space<semaphore_mem>>)
    %dma_start3A_54 = arith.constant 1 : i32
    %dma_start3A_55 = arith.constant 0 : i32
    %dma_start3A_56 = arith.constant 0 : i32
    %dma_start3A_57 = tpu.memref_slice %arg9[%dma_start3A_55, %dma_start3A_56] : memref<128x128xf32, #tpu.memory_space<vmem>> -> memref<128x128xf32, #tpu.memory_space<vmem>>
    %dma_start3A_58 = arith.constant 0 : i32
    %dma_start3A_59 = tpu.memref_slice %arg6[%dma_start3A_54, %dma_start3A_58] : memref<8x128xi32, #tpu.memory_space<vmem>> -> memref<1x128xi32, #tpu.memory_space<vmem>>
    %dma_start3A_60 = tpu.memref_squeeze %dma_start3A_59 : memref<1x128xi32, #tpu.memory_space<vmem>> -> memref<128xi32, #tpu.memory_space<vmem>>
    %dma_start3A_61 = arith.constant 0 : i32
    %dma_start3A_62 = arith.constant 0 : i32
    %dma_start3A_63 = tpu.memref_slice %arg2[%dma_start3A_61, %dma_start3A_62] : memref<8192x128xf32, #tpu.memory_space<hbm>> -> memref<8192x128xf32, #tpu.memory_space<hbm>>
    tpu.enqueue_indirect_dma source(%dma_start3A_63 : memref<8192x128xf32, #tpu.memory_space<hbm>>) target(%dma_start3A_57 : memref<128x128xf32, #tpu.memory_space<vmem>>) offsets(%dma_start3A_60 : memref<128xi32, #tpu.memory_space<vmem>>) semaphore(%arg15 : memref<!tpu.dma_semaphore, #tpu.memory_space<semaphore_mem>>)
    %dma_start3A_64 = arith.constant 1 : i32
    %dma_start3A_65 = arith.constant 0 : i32
    %dma_start3A_66 = arith.constant 0 : i32
    %dma_start3A_67 = tpu.memref_slice %arg10[%dma_start3A_65, %dma_start3A_66] : memref<128x128xf32, #tpu.memory_space<vmem>> -> memref<128x128xf32, #tpu.memory_space<vmem>>
    %dma_start3A_68 = arith.constant 0 : i32
    %dma_start3A_69 = tpu.memref_slice %arg6[%dma_start3A_64, %dma_start3A_68] : memref<8x128xi32, #tpu.memory_space<vmem>> -> memref<1x128xi32, #tpu.memory_space<vmem>>
    %dma_start3A_70 = tpu.memref_squeeze %dma_start3A_69 : memref<1x128xi32, #tpu.memory_space<vmem>> -> memref<128xi32, #tpu.memory_space<vmem>>
    %dma_start3A_71 = arith.constant 0 : i32
    %dma_start3A_72 = arith.constant 0 : i32
    %dma_start3A_73 = tpu.memref_slice %arg3[%dma_start3A_71, %dma_start3A_72] : memref<8192x128xf32, #tpu.memory_space<hbm>> -> memref<8192x128xf32, #tpu.memory_space<hbm>>
    tpu.enqueue_indirect_dma source(%dma_start3A_73 : memref<8192x128xf32, #tpu.memory_space<hbm>>) target(%dma_start3A_67 : memref<128x128xf32, #tpu.memory_space<vmem>>) offsets(%dma_start3A_70 : memref<128xi32, #tpu.memory_space<vmem>>) semaphore(%arg16 : memref<!tpu.dma_semaphore, #tpu.memory_space<semaphore_mem>>)
    %dma_start3A_74 = arith.constant 2 : i32
    %dma_start3A_75 = arith.constant 0 : i32
    %dma_start3A_76 = arith.constant 0 : i32
    %dma_start3A_77 = tpu.memref_slice %arg11[%dma_start3A_75, %dma_start3A_76] : memref<128x128xf32, #tpu.memory_space<vmem>> -> memref<128x128xf32, #tpu.memory_space<vmem>>
    %dma_start3A_78 = arith.constant 0 : i32
    %dma_start3A_79 = tpu.memref_slice %arg6[%dma_start3A_74, %dma_start3A_78] : memref<8x128xi32, #tpu.memory_space<vmem>> -> memref<1x128xi32, #tpu.memory_space<vmem>>
    %dma_start3A_80 = tpu.memref_squeeze %dma_start3A_79 : memref<1x128xi32, #tpu.memory_space<vmem>> -> memref<128xi32, #tpu.memory_space<vmem>>
    %dma_start3A_81 = arith.constant 0 : i32
    %dma_start3A_82 = arith.constant 0 : i32
    %dma_start3A_83 = tpu.memref_slice %arg2[%dma_start3A_81, %dma_start3A_82] : memref<8192x128xf32, #tpu.memory_space<hbm>> -> memref<8192x128xf32, #tpu.memory_space<hbm>>
    tpu.enqueue_indirect_dma source(%dma_start3A_83 : memref<8192x128xf32, #tpu.memory_space<hbm>>) target(%dma_start3A_77 : memref<128x128xf32, #tpu.memory_space<vmem>>) offsets(%dma_start3A_80 : memref<128xi32, #tpu.memory_space<vmem>>) semaphore(%arg17 : memref<!tpu.dma_semaphore, #tpu.memory_space<semaphore_mem>>)
    %dma_start3A_84 = arith.constant 2 : i32
    %dma_start3A_85 = arith.constant 0 : i32
    %dma_start3A_86 = arith.constant 0 : i32
    %dma_start3A_87 = tpu.memref_slice %arg12[%dma_start3A_85, %dma_start3A_86] : memref<128x128xf32, #tpu.memory_space<vmem>> -> memref<128x128xf32, #tpu.memory_space<vmem>>
    %dma_start3A_88 = arith.constant 0 : i32
    %dma_start3A_89 = tpu.memref_slice %arg6[%dma_start3A_84, %dma_start3A_88] : memref<8x128xi32, #tpu.memory_space<vmem>> -> memref<1x128xi32, #tpu.memory_space<vmem>>
    %dma_start3A_90 = tpu.memref_squeeze %dma_start3A_89 : memref<1x128xi32, #tpu.memory_space<vmem>> -> memref<128xi32, #tpu.memory_space<vmem>>
    %dma_start3A_91 = arith.constant 0 : i32
    %dma_start3A_92 = arith.constant 0 : i32
    %dma_start3A_93 = tpu.memref_slice %arg3[%dma_start3A_91, %dma_start3A_92] : memref<8192x128xf32, #tpu.memory_space<hbm>> -> memref<8192x128xf32, #tpu.memory_space<hbm>>
    tpu.enqueue_indirect_dma source(%dma_start3A_93 : memref<8192x128xf32, #tpu.memory_space<hbm>>) target(%dma_start3A_87 : memref<128x128xf32, #tpu.memory_space<vmem>>) offsets(%dma_start3A_90 : memref<128xi32, #tpu.memory_space<vmem>>) semaphore(%arg18 : memref<!tpu.dma_semaphore, #tpu.memory_space<semaphore_mem>>)
    %dma_wait3A = arith.constant 0 : i32
    %dma_wait3A_94 = arith.constant 0 : i32
    %dma_wait3A_95 = arith.constant 0 : i32
    %dma_wait3A_96 = tpu.memref_slice %arg7[%dma_wait3A_94, %dma_wait3A_95] : memref<128x128xf32, #tpu.memory_space<vmem>> -> memref<128x128xf32, #tpu.memory_space<vmem>>
    %dma_wait3A_97 = arith.constant 0 : i32
    %dma_wait3A_98 = tpu.memref_slice %arg6[%dma_wait3A, %dma_wait3A_97] : memref<8x128xi32, #tpu.memory_space<vmem>> -> memref<1x128xi32, #tpu.memory_space<vmem>>
    %dma_wait3A_99 = tpu.memref_squeeze %dma_wait3A_98 : memref<1x128xi32, #tpu.memory_space<vmem>> -> memref<128xi32, #tpu.memory_space<vmem>>
    %dma_wait3A_100 = arith.constant 0 : i32
    %dma_wait3A_101 = arith.constant 0 : i32
    %dma_wait3A_102 = tpu.memref_slice %arg2[%dma_wait3A_100, %dma_wait3A_101] : memref<8192x128xf32, #tpu.memory_space<hbm>> -> memref<8192x128xf32, #tpu.memory_space<hbm>>
    tpu.wait_indirect_dma semaphore(%arg13 : memref<!tpu.dma_semaphore, #tpu.memory_space<semaphore_mem>>) src(%dma_wait3A_102 : memref<8192x128xf32, #tpu.memory_space<hbm>>) dst(%dma_wait3A_96 : memref<128x128xf32, #tpu.memory_space<vmem>>)
    %add3A_103 = arith.constant 0 : i32
    %add3A_104 = arith.addi %mul3A_2, %add3A_103 : i32
    %dma_start3A_105 = arith.constant 0 : i32
    %dma_start3A_106 = arith.constant 0 : i32
    %dma_start3A_107 = tpu.memref_slice %arg5[%dma_start3A_105, %add3A_104, %dma_start3A_106] : memref<2x32768x128xf32, #tpu.memory_space<hbm>> -> memref<1x128x128xf32, #tpu.memory_space<hbm>>
    %dma_start3A_108 = tpu.memref_squeeze %dma_start3A_107 : memref<1x128x128xf32, #tpu.memory_space<hbm>> -> memref<128x128xf32, #tpu.memory_space<hbm>>
    %dma_start3A_109 = arith.constant 0 : i32
    %dma_start3A_110 = tpu.memref_slice %arg5[%dma_start3A_105, %add3A_104, %dma_start3A_109] : memref<2x32768x128xf32, #tpu.memory_space<hbm>> -> memref<1x128x128xf32, #tpu.memory_space<hbm>>
    %dma_start3A_111 = tpu.memref_squeeze %dma_start3A_110 : memref<1x128x128xf32, #tpu.memory_space<hbm>> -> memref<128x128xf32, #tpu.memory_space<hbm>>
    tpu.enqueue_dma source(%arg7 : memref<128x128xf32, #tpu.memory_space<vmem>>) target(%dma_start3A_111 : memref<128x128xf32, #tpu.memory_space<hbm>>) target_semaphore(%arg19 : memref<!tpu.dma_semaphore, #tpu.memory_space<semaphore_mem>>)
    %dma_wait3A_112 = arith.constant 0 : i32
    %dma_wait3A_113 = arith.constant 0 : i32
    %dma_wait3A_114 = tpu.memref_slice %arg5[%dma_wait3A_112, %add3A_104, %dma_wait3A_113] : memref<2x32768x128xf32, #tpu.memory_space<hbm>> -> memref<1x128x128xf32, #tpu.memory_space<hbm>>
    %dma_wait3A_115 = tpu.memref_squeeze %dma_wait3A_114 : memref<1x128x128xf32, #tpu.memory_space<hbm>> -> memref<128x128xf32, #tpu.memory_space<hbm>>
    %dma_wait3A_116 = arith.constant 0 : i32
    %dma_wait3A_117 = tpu.memref_slice %arg5[%dma_wait3A_112, %add3A_104, %dma_wait3A_116] : memref<2x32768x128xf32, #tpu.memory_space<hbm>> -> memref<1x128x128xf32, #tpu.memory_space<hbm>>
    %dma_wait3A_118 = tpu.memref_squeeze %dma_wait3A_117 : memref<1x128x128xf32, #tpu.memory_space<hbm>> -> memref<128x128xf32, #tpu.memory_space<hbm>>
    tpu.wait_dma2 semaphore(%arg19 : memref<!tpu.dma_semaphore, #tpu.memory_space<semaphore_mem>>) src(%arg7 : memref<128x128xf32, #tpu.memory_space<vmem>>) dst(%dma_wait3A_118 : memref<128x128xf32, #tpu.memory_space<hbm>>)
    %dma_start3A_119 = arith.constant 3 : i32
    %dma_start3A_120 = arith.constant 0 : i32
    %dma_start3A_121 = arith.constant 0 : i32
    %dma_start3A_122 = tpu.memref_slice %arg7[%dma_start3A_120, %dma_start3A_121] : memref<128x128xf32, #tpu.memory_space<vmem>> -> memref<128x128xf32, #tpu.memory_space<vmem>>
    %dma_start3A_123 = arith.constant 0 : i32
    %dma_start3A_124 = tpu.memref_slice %arg6[%dma_start3A_119, %dma_start3A_123] : memref<8x128xi32, #tpu.memory_space<vmem>> -> memref<1x128xi32, #tpu.memory_space<vmem>>
    %dma_start3A_125 = tpu.memref_squeeze %dma_start3A_124 : memref<1x128xi32, #tpu.memory_space<vmem>> -> memref<128xi32, #tpu.memory_space<vmem>>
    %dma_start3A_126 = arith.constant 0 : i32
    %dma_start3A_127 = arith.constant 0 : i32
    %dma_start3A_128 = tpu.memref_slice %arg2[%dma_start3A_126, %dma_start3A_127] : memref<8192x128xf32, #tpu.memory_space<hbm>> -> memref<8192x128xf32, #tpu.memory_space<hbm>>
    tpu.enqueue_indirect_dma source(%dma_start3A_128 : memref<8192x128xf32, #tpu.memory_space<hbm>>) target(%dma_start3A_122 : memref<128x128xf32, #tpu.memory_space<vmem>>) offsets(%dma_start3A_125 : memref<128xi32, #tpu.memory_space<vmem>>) semaphore(%arg13 : memref<!tpu.dma_semaphore, #tpu.memory_space<semaphore_mem>>)
    %dma_wait3A_129 = arith.constant 0 : i32
    %dma_wait3A_130 = arith.constant 0 : i32
    %dma_wait3A_131 = arith.constant 0 : i32
    %dma_wait3A_132 = tpu.memref_slice %arg8[%dma_wait3A_130, %dma_wait3A_131] : memref<128x128xf32, #tpu.memory_space<vmem>> -> memref<128x128xf32, #tpu.memory_space<vmem>>
    %dma_wait3A_133 = arith.constant 0 : i32
    %dma_wait3A_134 = tpu.memref_slice %arg6[%dma_wait3A_129, %dma_wait3A_133] : memref<8x128xi32, #tpu.memory_space<vmem>> -> memref<1x128xi32, #tpu.memory_space<vmem>>
    %dma_wait3A_135 = tpu.memref_squeeze %dma_wait3A_134 : memref<1x128xi32, #tpu.memory_space<vmem>> -> memref<128xi32, #tpu.memory_space<vmem>>
    %dma_wait3A_136 = arith.constant 0 : i32
    %dma_wait3A_137 = arith.constant 0 : i32
    %dma_wait3A_138 = tpu.memref_slice %arg3[%dma_wait3A_136, %dma_wait3A_137] : memref<8192x128xf32, #tpu.memory_space<hbm>> -> memref<8192x128xf32, #tpu.memory_space<hbm>>
    tpu.wait_indirect_dma semaphore(%arg14 : memref<!tpu.dma_semaphore, #tpu.memory_space<semaphore_mem>>) src(%dma_wait3A_138 : memref<8192x128xf32, #tpu.memory_space<hbm>>) dst(%dma_wait3A_132 : memref<128x128xf32, #tpu.memory_space<vmem>>)
    %add3A_139 = arith.constant 0 : i32
    %add3A_140 = arith.addi %mul3A_2, %add3A_139 : i32
    %dma_start3A_141 = arith.constant 1 : i32
    %dma_start3A_142 = arith.constant 0 : i32
    %dma_start3A_143 = tpu.memref_slice %arg5[%dma_start3A_141, %add3A_140, %dma_start3A_142] : memref<2x32768x128xf32, #tpu.memory_space<hbm>> -> memref<1x128x128xf32, #tpu.memory_space<hbm>>
    %dma_start3A_144 = tpu.memref_squeeze %dma_start3A_143 : memref<1x128x128xf32, #tpu.memory_space<hbm>> -> memref<128x128xf32, #tpu.memory_space<hbm>>
    %dma_start3A_145 = arith.constant 0 : i32
    %dma_start3A_146 = tpu.memref_slice %arg5[%dma_start3A_141, %add3A_140, %dma_start3A_145] : memref<2x32768x128xf32, #tpu.memory_space<hbm>> -> memref<1x128x128xf32, #tpu.memory_space<hbm>>
    %dma_start3A_147 = tpu.memref_squeeze %dma_start3A_146 : memref<1x128x128xf32, #tpu.memory_space<hbm>> -> memref<128x128xf32, #tpu.memory_space<hbm>>
    tpu.enqueue_dma source(%arg8 : memref<128x128xf32, #tpu.memory_space<vmem>>) target(%dma_start3A_147 : memref<128x128xf32, #tpu.memory_space<hbm>>) target_semaphore(%arg20 : memref<!tpu.dma_semaphore, #tpu.memory_space<semaphore_mem>>)
    %dma_wait3A_148 = arith.constant 1 : i32
    %dma_wait3A_149 = arith.constant 0 : i32
    %dma_wait3A_150 = tpu.memref_slice %arg5[%dma_wait3A_148, %add3A_140, %dma_wait3A_149] : memref<2x32768x128xf32, #tpu.memory_space<hbm>> -> memref<1x128x128xf32, #tpu.memory_space<hbm>>
    %dma_wait3A_151 = tpu.memref_squeeze %dma_wait3A_150 : memref<1x128x128xf32, #tpu.memory_space<hbm>> -> memref<128x128xf32, #tpu.memory_space<hbm>>
    %dma_wait3A_152 = arith.constant 0 : i32
    %dma_wait3A_153 = tpu.memref_slice %arg5[%dma_wait3A_148, %add3A_140, %dma_wait3A_152] : memref<2x32768x128xf32, #tpu.memory_space<hbm>> -> memref<1x128x128xf32, #tpu.memory_space<hbm>>
    %dma_wait3A_154 = tpu.memref_squeeze %dma_wait3A_153 : memref<1x128x128xf32, #tpu.memory_space<hbm>> -> memref<128x128xf32, #tpu.memory_space<hbm>>
    tpu.wait_dma2 semaphore(%arg20 : memref<!tpu.dma_semaphore, #tpu.memory_space<semaphore_mem>>) src(%arg8 : memref<128x128xf32, #tpu.memory_space<vmem>>) dst(%dma_wait3A_154 : memref<128x128xf32, #tpu.memory_space<hbm>>)
    %dma_start3A_155 = arith.constant 3 : i32
    %dma_start3A_156 = arith.constant 0 : i32
    %dma_start3A_157 = arith.constant 0 : i32
    %dma_start3A_158 = tpu.memref_slice %arg8[%dma_start3A_156, %dma_start3A_157] : memref<128x128xf32, #tpu.memory_space<vmem>> -> memref<128x128xf32, #tpu.memory_space<vmem>>
    %dma_start3A_159 = arith.constant 0 : i32
    %dma_start3A_160 = tpu.memref_slice %arg6[%dma_start3A_155, %dma_start3A_159] : memref<8x128xi32, #tpu.memory_space<vmem>> -> memref<1x128xi32, #tpu.memory_space<vmem>>
    %dma_start3A_161 = tpu.memref_squeeze %dma_start3A_160 : memref<1x128xi32, #tpu.memory_space<vmem>> -> memref<128xi32, #tpu.memory_space<vmem>>
    %dma_start3A_162 = arith.constant 0 : i32
    %dma_start3A_163 = arith.constant 0 : i32
    %dma_start3A_164 = tpu.memref_slice %arg3[%dma_start3A_162, %dma_start3A_163] : memref<8192x128xf32, #tpu.memory_space<hbm>> -> memref<8192x128xf32, #tpu.memory_space<hbm>>
    tpu.enqueue_indirect_dma source(%dma_start3A_164 : memref<8192x128xf32, #tpu.memory_space<hbm>>) target(%dma_start3A_158 : memref<128x128xf32, #tpu.memory_space<vmem>>) offsets(%dma_start3A_161 : memref<128xi32, #tpu.memory_space<vmem>>) semaphore(%arg14 : memref<!tpu.dma_semaphore, #tpu.memory_space<semaphore_mem>>)
    %dma_wait3A_165 = arith.constant 1 : i32
    %dma_wait3A_166 = arith.constant 0 : i32
    %dma_wait3A_167 = arith.constant 0 : i32
    %dma_wait3A_168 = tpu.memref_slice %arg9[%dma_wait3A_166, %dma_wait3A_167] : memref<128x128xf32, #tpu.memory_space<vmem>> -> memref<128x128xf32, #tpu.memory_space<vmem>>
    %dma_wait3A_169 = arith.constant 0 : i32
    %dma_wait3A_170 = tpu.memref_slice %arg6[%dma_wait3A_165, %dma_wait3A_169] : memref<8x128xi32, #tpu.memory_space<vmem>> -> memref<1x128xi32, #tpu.memory_space<vmem>>
    %dma_wait3A_171 = tpu.memref_squeeze %dma_wait3A_170 : memref<1x128xi32, #tpu.memory_space<vmem>> -> memref<128xi32, #tpu.memory_space<vmem>>
    %dma_wait3A_172 = arith.constant 0 : i32
    %dma_wait3A_173 = arith.constant 0 : i32
    %dma_wait3A_174 = tpu.memref_slice %arg2[%dma_wait3A_172, %dma_wait3A_173] : memref<8192x128xf32, #tpu.memory_space<hbm>> -> memref<8192x128xf32, #tpu.memory_space<hbm>>
    tpu.wait_indirect_dma semaphore(%arg15 : memref<!tpu.dma_semaphore, #tpu.memory_space<semaphore_mem>>) src(%dma_wait3A_174 : memref<8192x128xf32, #tpu.memory_space<hbm>>) dst(%dma_wait3A_168 : memref<128x128xf32, #tpu.memory_space<vmem>>)
    %add3A_175 = arith.constant 128 : i32
    %add3A_176 = arith.addi %mul3A_2, %add3A_175 : i32
    %dma_start3A_177 = arith.constant 0 : i32
    %dma_start3A_178 = arith.constant 0 : i32
    %dma_start3A_179 = tpu.memref_slice %arg5[%dma_start3A_177, %add3A_176, %dma_start3A_178] : memref<2x32768x128xf32, #tpu.memory_space<hbm>> -> memref<1x128x128xf32, #tpu.memory_space<hbm>>
    %dma_start3A_180 = tpu.memref_squeeze %dma_start3A_179 : memref<1x128x128xf32, #tpu.memory_space<hbm>> -> memref<128x128xf32, #tpu.memory_space<hbm>>
    %dma_start3A_181 = arith.constant 0 : i32
    %dma_start3A_182 = tpu.memref_slice %arg5[%dma_start3A_177, %add3A_176, %dma_start3A_181] : memref<2x32768x128xf32, #tpu.memory_space<hbm>> -> memref<1x128x128xf32, #tpu.memory_space<hbm>>
    %dma_start3A_183 = tpu.memref_squeeze %dma_start3A_182 : memref<1x128x128xf32, #tpu.memory_space<hbm>> -> memref<128x128xf32, #tpu.memory_space<hbm>>
    tpu.enqueue_dma source(%arg9 : memref<128x128xf32, #tpu.memory_space<vmem>>) target(%dma_start3A_183 : memref<128x128xf32, #tpu.memory_space<hbm>>) target_semaphore(%arg21 : memref<!tpu.dma_semaphore, #tpu.memory_space<semaphore_mem>>)
    %dma_wait3A_184 = arith.constant 0 : i32
    %dma_wait3A_185 = arith.constant 0 : i32
    %dma_wait3A_186 = tpu.memref_slice %arg5[%dma_wait3A_184, %add3A_176, %dma_wait3A_185] : memref<2x32768x128xf32, #tpu.memory_space<hbm>> -> memref<1x128x128xf32, #tpu.memory_space<hbm>>
    %dma_wait3A_187 = tpu.memref_squeeze %dma_wait3A_186 : memref<1x128x128xf32, #tpu.memory_space<hbm>> -> memref<128x128xf32, #tpu.memory_space<hbm>>
    %dma_wait3A_188 = arith.constant 0 : i32
    %dma_wait3A_189 = tpu.memref_slice %arg5[%dma_wait3A_184, %add3A_176, %dma_wait3A_188] : memref<2x32768x128xf32, #tpu.memory_space<hbm>> -> memref<1x128x128xf32, #tpu.memory_space<hbm>>
    %dma_wait3A_190 = tpu.memref_squeeze %dma_wait3A_189 : memref<1x128x128xf32, #tpu.memory_space<hbm>> -> memref<128x128xf32, #tpu.memory_space<hbm>>
    tpu.wait_dma2 semaphore(%arg21 : memref<!tpu.dma_semaphore, #tpu.memory_space<semaphore_mem>>) src(%arg9 : memref<128x128xf32, #tpu.memory_space<vmem>>) dst(%dma_wait3A_190 : memref<128x128xf32, #tpu.memory_space<hbm>>)
    %dma_start3A_191 = arith.constant 4 : i32
    %dma_start3A_192 = arith.constant 0 : i32
    %dma_start3A_193 = arith.constant 0 : i32
    %dma_start3A_194 = tpu.memref_slice %arg9[%dma_start3A_192, %dma_start3A_193] : memref<128x128xf32, #tpu.memory_space<vmem>> -> memref<128x128xf32, #tpu.memory_space<vmem>>
    %dma_start3A_195 = arith.constant 0 : i32
    %dma_start3A_196 = tpu.memref_slice %arg6[%dma_start3A_191, %dma_start3A_195] : memref<8x128xi32, #tpu.memory_space<vmem>> -> memref<1x128xi32, #tpu.memory_space<vmem>>
    %dma_start3A_197 = tpu.memref_squeeze %dma_start3A_196 : memref<1x128xi32, #tpu.memory_space<vmem>> -> memref<128xi32, #tpu.memory_space<vmem>>
    %dma_start3A_198 = arith.constant 0 : i32
    %dma_start3A_199 = arith.constant 0 : i32
    %dma_start3A_200 = tpu.memref_slice %arg2[%dma_start3A_198, %dma_start3A_199] : memref<8192x128xf32, #tpu.memory_space<hbm>> -> memref<8192x128xf32, #tpu.memory_space<hbm>>
    tpu.enqueue_indirect_dma source(%dma_start3A_200 : memref<8192x128xf32, #tpu.memory_space<hbm>>) target(%dma_start3A_194 : memref<128x128xf32, #tpu.memory_space<vmem>>) offsets(%dma_start3A_197 : memref<128xi32, #tpu.memory_space<vmem>>) semaphore(%arg15 : memref<!tpu.dma_semaphore, #tpu.memory_space<semaphore_mem>>)
    %dma_wait3A_201 = arith.constant 1 : i32
    %dma_wait3A_202 = arith.constant 0 : i32
    %dma_wait3A_203 = arith.constant 0 : i32
    %dma_wait3A_204 = tpu.memref_slice %arg10[%dma_wait3A_202, %dma_wait3A_203] : memref<128x128xf32, #tpu.memory_space<vmem>> -> memref<128x128xf32, #tpu.memory_space<vmem>>
    %dma_wait3A_205 = arith.constant 0 : i32
    %dma_wait3A_206 = tpu.memref_slice %arg6[%dma_wait3A_201, %dma_wait3A_205] : memref<8x128xi32, #tpu.memory_space<vmem>> -> memref<1x128xi32, #tpu.memory_space<vmem>>
    %dma_wait3A_207 = tpu.memref_squeeze %dma_wait3A_206 : memref<1x128xi32, #tpu.memory_space<vmem>> -> memref<128xi32, #tpu.memory_space<vmem>>
    %dma_wait3A_208 = arith.constant 0 : i32
    %dma_wait3A_209 = arith.constant 0 : i32
    %dma_wait3A_210 = tpu.memref_slice %arg3[%dma_wait3A_208, %dma_wait3A_209] : memref<8192x128xf32, #tpu.memory_space<hbm>> -> memref<8192x128xf32, #tpu.memory_space<hbm>>
    tpu.wait_indirect_dma semaphore(%arg16 : memref<!tpu.dma_semaphore, #tpu.memory_space<semaphore_mem>>) src(%dma_wait3A_210 : memref<8192x128xf32, #tpu.memory_space<hbm>>) dst(%dma_wait3A_204 : memref<128x128xf32, #tpu.memory_space<vmem>>)
    %add3A_211 = arith.constant 128 : i32
    %add3A_212 = arith.addi %mul3A_2, %add3A_211 : i32
    %dma_start3A_213 = arith.constant 1 : i32
    %dma_start3A_214 = arith.constant 0 : i32
    %dma_start3A_215 = tpu.memref_slice %arg5[%dma_start3A_213, %add3A_212, %dma_start3A_214] : memref<2x32768x128xf32, #tpu.memory_space<hbm>> -> memref<1x128x128xf32, #tpu.memory_space<hbm>>
    %dma_start3A_216 = tpu.memref_squeeze %dma_start3A_215 : memref<1x128x128xf32, #tpu.memory_space<hbm>> -> memref<128x128xf32, #tpu.memory_space<hbm>>
    %dma_start3A_217 = arith.constant 0 : i32
    %dma_start3A_218 = tpu.memref_slice %arg5[%dma_start3A_213, %add3A_212, %dma_start3A_217] : memref<2x32768x128xf32, #tpu.memory_space<hbm>> -> memref<1x128x128xf32, #tpu.memory_space<hbm>>
    %dma_start3A_219 = tpu.memref_squeeze %dma_start3A_218 : memref<1x128x128xf32, #tpu.memory_space<hbm>> -> memref<128x128xf32, #tpu.memory_space<hbm>>
    tpu.enqueue_dma source(%arg10 : memref<128x128xf32, #tpu.memory_space<vmem>>) target(%dma_start3A_219 : memref<128x128xf32, #tpu.memory_space<hbm>>) target_semaphore(%arg22 : memref<!tpu.dma_semaphore, #tpu.memory_space<semaphore_mem>>)
    %dma_wait3A_220 = arith.constant 1 : i32
    %dma_wait3A_221 = arith.constant 0 : i32
    %dma_wait3A_222 = tpu.memref_slice %arg5[%dma_wait3A_220, %add3A_212, %dma_wait3A_221] : memref<2x32768x128xf32, #tpu.memory_space<hbm>> -> memref<1x128x128xf32, #tpu.memory_space<hbm>>
    %dma_wait3A_223 = tpu.memref_squeeze %dma_wait3A_222 : memref<1x128x128xf32, #tpu.memory_space<hbm>> -> memref<128x128xf32, #tpu.memory_space<hbm>>
    %dma_wait3A_224 = arith.constant 0 : i32
    %dma_wait3A_225 = tpu.memref_slice %arg5[%dma_wait3A_220, %add3A_212, %dma_wait3A_224] : memref<2x32768x128xf32, #tpu.memory_space<hbm>> -> memref<1x128x128xf32, #tpu.memory_space<hbm>>
    %dma_wait3A_226 = tpu.memref_squeeze %dma_wait3A_225 : memref<1x128x128xf32, #tpu.memory_space<hbm>> -> memref<128x128xf32, #tpu.memory_space<hbm>>
    tpu.wait_dma2 semaphore(%arg22 : memref<!tpu.dma_semaphore, #tpu.memory_space<semaphore_mem>>) src(%arg10 : memref<128x128xf32, #tpu.memory_space<vmem>>) dst(%dma_wait3A_226 : memref<128x128xf32, #tpu.memory_space<hbm>>)
    %dma_start3A_227 = arith.constant 4 : i32
    %dma_start3A_228 = arith.constant 0 : i32
    %dma_start3A_229 = arith.constant 0 : i32
    %dma_start3A_230 = tpu.memref_slice %arg10[%dma_start3A_228, %dma_start3A_229] : memref<128x128xf32, #tpu.memory_space<vmem>> -> memref<128x128xf32, #tpu.memory_space<vmem>>
    %dma_start3A_231 = arith.constant 0 : i32
    %dma_start3A_232 = tpu.memref_slice %arg6[%dma_start3A_227, %dma_start3A_231] : memref<8x128xi32, #tpu.memory_space<vmem>> -> memref<1x128xi32, #tpu.memory_space<vmem>>
    %dma_start3A_233 = tpu.memref_squeeze %dma_start3A_232 : memref<1x128xi32, #tpu.memory_space<vmem>> -> memref<128xi32, #tpu.memory_space<vmem>>
    %dma_start3A_234 = arith.constant 0 : i32
    %dma_start3A_235 = arith.constant 0 : i32
    %dma_start3A_236 = tpu.memref_slice %arg3[%dma_start3A_234, %dma_start3A_235] : memref<8192x128xf32, #tpu.memory_space<hbm>> -> memref<8192x128xf32, #tpu.memory_space<hbm>>
    tpu.enqueue_indirect_dma source(%dma_start3A_236 : memref<8192x128xf32, #tpu.memory_space<hbm>>) target(%dma_start3A_230 : memref<128x128xf32, #tpu.memory_space<vmem>>) offsets(%dma_start3A_233 : memref<128xi32, #tpu.memory_space<vmem>>) semaphore(%arg16 : memref<!tpu.dma_semaphore, #tpu.memory_space<semaphore_mem>>)
    %dma_wait3A_237 = arith.constant 2 : i32
    %dma_wait3A_238 = arith.constant 0 : i32
    %dma_wait3A_239 = arith.constant 0 : i32
    %dma_wait3A_240 = tpu.memref_slice %arg11[%dma_wait3A_238, %dma_wait3A_239] : memref<128x128xf32, #tpu.memory_space<vmem>> -> memref<128x128xf32, #tpu.memory_space<vmem>>
    %dma_wait3A_241 = arith.constant 0 : i32
    %dma_wait3A_242 = tpu.memref_slice %arg6[%dma_wait3A_237, %dma_wait3A_241] : memref<8x128xi32, #tpu.memory_space<vmem>> -> memref<1x128xi32, #tpu.memory_space<vmem>>
    %dma_wait3A_243 = tpu.memref_squeeze %dma_wait3A_242 : memref<1x128xi32, #tpu.memory_space<vmem>> -> memref<128xi32, #tpu.memory_space<vmem>>
    %dma_wait3A_244 = arith.constant 0 : i32
    %dma_wait3A_245 = arith.constant 0 : i32
    %dma_wait3A_246 = tpu.memref_slice %arg2[%dma_wait3A_244, %dma_wait3A_245] : memref<8192x128xf32, #tpu.memory_space<hbm>> -> memref<8192x128xf32, #tpu.memory_space<hbm>>
    tpu.wait_indirect_dma semaphore(%arg17 : memref<!tpu.dma_semaphore, #tpu.memory_space<semaphore_mem>>) src(%dma_wait3A_246 : memref<8192x128xf32, #tpu.memory_space<hbm>>) dst(%dma_wait3A_240 : memref<128x128xf32, #tpu.memory_space<vmem>>)
    %add3A_247 = arith.constant 256 : i32
    %add3A_248 = arith.addi %mul3A_2, %add3A_247 : i32
    %dma_start3A_249 = arith.constant 0 : i32
    %dma_start3A_250 = arith.constant 0 : i32
    %dma_start3A_251 = tpu.memref_slice %arg5[%dma_start3A_249, %add3A_248, %dma_start3A_250] : memref<2x32768x128xf32, #tpu.memory_space<hbm>> -> memref<1x128x128xf32, #tpu.memory_space<hbm>>
    %dma_start3A_252 = tpu.memref_squeeze %dma_start3A_251 : memref<1x128x128xf32, #tpu.memory_space<hbm>> -> memref<128x128xf32, #tpu.memory_space<hbm>>
    %dma_start3A_253 = arith.constant 0 : i32
    %dma_start3A_254 = tpu.memref_slice %arg5[%dma_start3A_249, %add3A_248, %dma_start3A_253] : memref<2x32768x128xf32, #tpu.memory_space<hbm>> -> memref<1x128x128xf32, #tpu.memory_space<hbm>>
    %dma_start3A_255 = tpu.memref_squeeze %dma_start3A_254 : memref<1x128x128xf32, #tpu.memory_space<hbm>> -> memref<128x128xf32, #tpu.memory_space<hbm>>
    tpu.enqueue_dma source(%arg11 : memref<128x128xf32, #tpu.memory_space<vmem>>) target(%dma_start3A_255 : memref<128x128xf32, #tpu.memory_space<hbm>>) target_semaphore(%arg23 : memref<!tpu.dma_semaphore, #tpu.memory_space<semaphore_mem>>)
    %dma_wait3A_256 = arith.constant 0 : i32
    %dma_wait3A_257 = arith.constant 0 : i32
    %dma_wait3A_258 = tpu.memref_slice %arg5[%dma_wait3A_256, %add3A_248, %dma_wait3A_257] : memref<2x32768x128xf32, #tpu.memory_space<hbm>> -> memref<1x128x128xf32, #tpu.memory_space<hbm>>
    %dma_wait3A_259 = tpu.memref_squeeze %dma_wait3A_258 : memref<1x128x128xf32, #tpu.memory_space<hbm>> -> memref<128x128xf32, #tpu.memory_space<hbm>>
    %dma_wait3A_260 = arith.constant 0 : i32
    %dma_wait3A_261 = tpu.memref_slice %arg5[%dma_wait3A_256, %add3A_248, %dma_wait3A_260] : memref<2x32768x128xf32, #tpu.memory_space<hbm>> -> memref<1x128x128xf32, #tpu.memory_space<hbm>>
    %dma_wait3A_262 = tpu.memref_squeeze %dma_wait3A_261 : memref<1x128x128xf32, #tpu.memory_space<hbm>> -> memref<128x128xf32, #tpu.memory_space<hbm>>
    tpu.wait_dma2 semaphore(%arg23 : memref<!tpu.dma_semaphore, #tpu.memory_space<semaphore_mem>>) src(%arg11 : memref<128x128xf32, #tpu.memory_space<vmem>>) dst(%dma_wait3A_262 : memref<128x128xf32, #tpu.memory_space<hbm>>)
    %dma_start3A_263 = arith.constant 5 : i32
    %dma_start3A_264 = arith.constant 0 : i32
    %dma_start3A_265 = arith.constant 0 : i32
    %dma_start3A_266 = tpu.memref_slice %arg11[%dma_start3A_264, %dma_start3A_265] : memref<128x128xf32, #tpu.memory_space<vmem>> -> memref<128x128xf32, #tpu.memory_space<vmem>>
    %dma_start3A_267 = arith.constant 0 : i32
    %dma_start3A_268 = tpu.memref_slice %arg6[%dma_start3A_263, %dma_start3A_267] : memref<8x128xi32, #tpu.memory_space<vmem>> -> memref<1x128xi32, #tpu.memory_space<vmem>>
    %dma_start3A_269 = tpu.memref_squeeze %dma_start3A_268 : memref<1x128xi32, #tpu.memory_space<vmem>> -> memref<128xi32, #tpu.memory_space<vmem>>
    %dma_start3A_270 = arith.constant 0 : i32
    %dma_start3A_271 = arith.constant 0 : i32
    %dma_start3A_272 = tpu.memref_slice %arg2[%dma_start3A_270, %dma_start3A_271] : memref<8192x128xf32, #tpu.memory_space<hbm>> -> memref<8192x128xf32, #tpu.memory_space<hbm>>
    tpu.enqueue_indirect_dma source(%dma_start3A_272 : memref<8192x128xf32, #tpu.memory_space<hbm>>) target(%dma_start3A_266 : memref<128x128xf32, #tpu.memory_space<vmem>>) offsets(%dma_start3A_269 : memref<128xi32, #tpu.memory_space<vmem>>) semaphore(%arg17 : memref<!tpu.dma_semaphore, #tpu.memory_space<semaphore_mem>>)
    %dma_wait3A_273 = arith.constant 2 : i32
    %dma_wait3A_274 = arith.constant 0 : i32
    %dma_wait3A_275 = arith.constant 0 : i32
    %dma_wait3A_276 = tpu.memref_slice %arg12[%dma_wait3A_274, %dma_wait3A_275] : memref<128x128xf32, #tpu.memory_space<vmem>> -> memref<128x128xf32, #tpu.memory_space<vmem>>
    %dma_wait3A_277 = arith.constant 0 : i32
    %dma_wait3A_278 = tpu.memref_slice %arg6[%dma_wait3A_273, %dma_wait3A_277] : memref<8x128xi32, #tpu.memory_space<vmem>> -> memref<1x128xi32, #tpu.memory_space<vmem>>
    %dma_wait3A_279 = tpu.memref_squeeze %dma_wait3A_278 : memref<1x128xi32, #tpu.memory_space<vmem>> -> memref<128xi32, #tpu.memory_space<vmem>>
    %dma_wait3A_280 = arith.constant 0 : i32
    %dma_wait3A_281 = arith.constant 0 : i32
    %dma_wait3A_282 = tpu.memref_slice %arg3[%dma_wait3A_280, %dma_wait3A_281] : memref<8192x128xf32, #tpu.memory_space<hbm>> -> memref<8192x128xf32, #tpu.memory_space<hbm>>
    tpu.wait_indirect_dma semaphore(%arg18 : memref<!tpu.dma_semaphore, #tpu.memory_space<semaphore_mem>>) src(%dma_wait3A_282 : memref<8192x128xf32, #tpu.memory_space<hbm>>) dst(%dma_wait3A_276 : memref<128x128xf32, #tpu.memory_space<vmem>>)
    %add3A_283 = arith.constant 256 : i32
    %add3A_284 = arith.addi %mul3A_2, %add3A_283 : i32
    %dma_start3A_285 = arith.constant 1 : i32
    %dma_start3A_286 = arith.constant 0 : i32
    %dma_start3A_287 = tpu.memref_slice %arg5[%dma_start3A_285, %add3A_284, %dma_start3A_286] : memref<2x32768x128xf32, #tpu.memory_space<hbm>> -> memref<1x128x128xf32, #tpu.memory_space<hbm>>
    %dma_start3A_288 = tpu.memref_squeeze %dma_start3A_287 : memref<1x128x128xf32, #tpu.memory_space<hbm>> -> memref<128x128xf32, #tpu.memory_space<hbm>>
    %dma_start3A_289 = arith.constant 0 : i32
    %dma_start3A_290 = tpu.memref_slice %arg5[%dma_start3A_285, %add3A_284, %dma_start3A_289] : memref<2x32768x128xf32, #tpu.memory_space<hbm>> -> memref<1x128x128xf32, #tpu.memory_space<hbm>>
    %dma_start3A_291 = tpu.memref_squeeze %dma_start3A_290 : memref<1x128x128xf32, #tpu.memory_space<hbm>> -> memref<128x128xf32, #tpu.memory_space<hbm>>
    tpu.enqueue_dma source(%arg12 : memref<128x128xf32, #tpu.memory_space<vmem>>) target(%dma_start3A_291 : memref<128x128xf32, #tpu.memory_space<hbm>>) target_semaphore(%arg24 : memref<!tpu.dma_semaphore, #tpu.memory_space<semaphore_mem>>)
    %dma_wait3A_292 = arith.constant 1 : i32
    %dma_wait3A_293 = arith.constant 0 : i32
    %dma_wait3A_294 = tpu.memref_slice %arg5[%dma_wait3A_292, %add3A_284, %dma_wait3A_293] : memref<2x32768x128xf32, #tpu.memory_space<hbm>> -> memref<1x128x128xf32, #tpu.memory_space<hbm>>
    %dma_wait3A_295 = tpu.memref_squeeze %dma_wait3A_294 : memref<1x128x128xf32, #tpu.memory_space<hbm>> -> memref<128x128xf32, #tpu.memory_space<hbm>>
    %dma_wait3A_296 = arith.constant 0 : i32
    %dma_wait3A_297 = tpu.memref_slice %arg5[%dma_wait3A_292, %add3A_284, %dma_wait3A_296] : memref<2x32768x128xf32, #tpu.memory_space<hbm>> -> memref<1x128x128xf32, #tpu.memory_space<hbm>>
    %dma_wait3A_298 = tpu.memref_squeeze %dma_wait3A_297 : memref<1x128x128xf32, #tpu.memory_space<hbm>> -> memref<128x128xf32, #tpu.memory_space<hbm>>
    tpu.wait_dma2 semaphore(%arg24 : memref<!tpu.dma_semaphore, #tpu.memory_space<semaphore_mem>>) src(%arg12 : memref<128x128xf32, #tpu.memory_space<vmem>>) dst(%dma_wait3A_298 : memref<128x128xf32, #tpu.memory_space<hbm>>)
    %dma_start3A_299 = arith.constant 5 : i32
    %dma_start3A_300 = arith.constant 0 : i32
    %dma_start3A_301 = arith.constant 0 : i32
    %dma_start3A_302 = tpu.memref_slice %arg12[%dma_start3A_300, %dma_start3A_301] : memref<128x128xf32, #tpu.memory_space<vmem>> -> memref<128x128xf32, #tpu.memory_space<vmem>>
    %dma_start3A_303 = arith.constant 0 : i32
    %dma_start3A_304 = tpu.memref_slice %arg6[%dma_start3A_299, %dma_start3A_303] : memref<8x128xi32, #tpu.memory_space<vmem>> -> memref<1x128xi32, #tpu.memory_space<vmem>>
    %dma_start3A_305 = tpu.memref_squeeze %dma_start3A_304 : memref<1x128xi32, #tpu.memory_space<vmem>> -> memref<128xi32, #tpu.memory_space<vmem>>
    %dma_start3A_306 = arith.constant 0 : i32
    %dma_start3A_307 = arith.constant 0 : i32
    %dma_start3A_308 = tpu.memref_slice %arg3[%dma_start3A_306, %dma_start3A_307] : memref<8192x128xf32, #tpu.memory_space<hbm>> -> memref<8192x128xf32, #tpu.memory_space<hbm>>
    tpu.enqueue_indirect_dma source(%dma_start3A_308 : memref<8192x128xf32, #tpu.memory_space<hbm>>) target(%dma_start3A_302 : memref<128x128xf32, #tpu.memory_space<vmem>>) offsets(%dma_start3A_305 : memref<128xi32, #tpu.memory_space<vmem>>) semaphore(%arg18 : memref<!tpu.dma_semaphore, #tpu.memory_space<semaphore_mem>>)
    %dma_wait3A_309 = arith.constant 3 : i32
    %dma_wait3A_310 = arith.constant 0 : i32
    %dma_wait3A_311 = arith.constant 0 : i32
    %dma_wait3A_312 = tpu.memref_slice %arg7[%dma_wait3A_310, %dma_wait3A_311] : memref<128x128xf32, #tpu.memory_space<vmem>> -> memref<128x128xf32, #tpu.memory_space<vmem>>
    %dma_wait3A_313 = arith.constant 0 : i32
    %dma_wait3A_314 = tpu.memref_slice %arg6[%dma_wait3A_309, %dma_wait3A_313] : memref<8x128xi32, #tpu.memory_space<vmem>> -> memref<1x128xi32, #tpu.memory_space<vmem>>
    %dma_wait3A_315 = tpu.memref_squeeze %dma_wait3A_314 : memref<1x128xi32, #tpu.memory_space<vmem>> -> memref<128xi32, #tpu.memory_space<vmem>>
    %dma_wait3A_316 = arith.constant 0 : i32
    %dma_wait3A_317 = arith.constant 0 : i32
    %dma_wait3A_318 = tpu.memref_slice %arg2[%dma_wait3A_316, %dma_wait3A_317] : memref<8192x128xf32, #tpu.memory_space<hbm>> -> memref<8192x128xf32, #tpu.memory_space<hbm>>
    tpu.wait_indirect_dma semaphore(%arg13 : memref<!tpu.dma_semaphore, #tpu.memory_space<semaphore_mem>>) src(%dma_wait3A_318 : memref<8192x128xf32, #tpu.memory_space<hbm>>) dst(%dma_wait3A_312 : memref<128x128xf32, #tpu.memory_space<vmem>>)
    %add3A_319 = arith.constant 384 : i32
    %add3A_320 = arith.addi %mul3A_2, %add3A_319 : i32
    %dma_start3A_321 = arith.constant 0 : i32
    %dma_start3A_322 = arith.constant 0 : i32
    %dma_start3A_323 = tpu.memref_slice %arg5[%dma_start3A_321, %add3A_320, %dma_start3A_322] : memref<2x32768x128xf32, #tpu.memory_space<hbm>> -> memref<1x128x128xf32, #tpu.memory_space<hbm>>
    %dma_start3A_324 = tpu.memref_squeeze %dma_start3A_323 : memref<1x128x128xf32, #tpu.memory_space<hbm>> -> memref<128x128xf32, #tpu.memory_space<hbm>>
    %dma_start3A_325 = arith.constant 0 : i32
    %dma_start3A_326 = tpu.memref_slice %arg5[%dma_start3A_321, %add3A_320, %dma_start3A_325] : memref<2x32768x128xf32, #tpu.memory_space<hbm>> -> memref<1x128x128xf32, #tpu.memory_space<hbm>>
    %dma_start3A_327 = tpu.memref_squeeze %dma_start3A_326 : memref<1x128x128xf32, #tpu.memory_space<hbm>> -> memref<128x128xf32, #tpu.memory_space<hbm>>
    tpu.enqueue_dma source(%arg7 : memref<128x128xf32, #tpu.memory_space<vmem>>) target(%dma_start3A_327 : memref<128x128xf32, #tpu.memory_space<hbm>>) target_semaphore(%arg19 : memref<!tpu.dma_semaphore, #tpu.memory_space<semaphore_mem>>)
    %dma_wait3A_328 = arith.constant 0 : i32
    %dma_wait3A_329 = arith.constant 0 : i32
    %dma_wait3A_330 = tpu.memref_slice %arg5[%dma_wait3A_328, %add3A_320, %dma_wait3A_329] : memref<2x32768x128xf32, #tpu.memory_space<hbm>> -> memref<1x128x128xf32, #tpu.memory_space<hbm>>
    %dma_wait3A_331 = tpu.memref_squeeze %dma_wait3A_330 : memref<1x128x128xf32, #tpu.memory_space<hbm>> -> memref<128x128xf32, #tpu.memory_space<hbm>>
    %dma_wait3A_332 = arith.constant 0 : i32
    %dma_wait3A_333 = tpu.memref_slice %arg5[%dma_wait3A_328, %add3A_320, %dma_wait3A_332] : memref<2x32768x128xf32, #tpu.memory_space<hbm>> -> memref<1x128x128xf32, #tpu.memory_space<hbm>>
    %dma_wait3A_334 = tpu.memref_squeeze %dma_wait3A_333 : memref<1x128x128xf32, #tpu.memory_space<hbm>> -> memref<128x128xf32, #tpu.memory_space<hbm>>
    tpu.wait_dma2 semaphore(%arg19 : memref<!tpu.dma_semaphore, #tpu.memory_space<semaphore_mem>>) src(%arg7 : memref<128x128xf32, #tpu.memory_space<vmem>>) dst(%dma_wait3A_334 : memref<128x128xf32, #tpu.memory_space<hbm>>)
    %dma_start3A_335 = arith.constant 6 : i32
    %dma_start3A_336 = arith.constant 0 : i32
    %dma_start3A_337 = arith.constant 0 : i32
    %dma_start3A_338 = tpu.memref_slice %arg7[%dma_start3A_336, %dma_start3A_337] : memref<128x128xf32, #tpu.memory_space<vmem>> -> memref<128x128xf32, #tpu.memory_space<vmem>>
    %dma_start3A_339 = arith.constant 0 : i32
    %dma_start3A_340 = tpu.memref_slice %arg6[%dma_start3A_335, %dma_start3A_339] : memref<8x128xi32, #tpu.memory_space<vmem>> -> memref<1x128xi32, #tpu.memory_space<vmem>>
    %dma_start3A_341 = tpu.memref_squeeze %dma_start3A_340 : memref<1x128xi32, #tpu.memory_space<vmem>> -> memref<128xi32, #tpu.memory_space<vmem>>
    %dma_start3A_342 = arith.constant 0 : i32
    %dma_start3A_343 = arith.constant 0 : i32
    %dma_start3A_344 = tpu.memref_slice %arg2[%dma_start3A_342, %dma_start3A_343] : memref<8192x128xf32, #tpu.memory_space<hbm>> -> memref<8192x128xf32, #tpu.memory_space<hbm>>
    tpu.enqueue_indirect_dma source(%dma_start3A_344 : memref<8192x128xf32, #tpu.memory_space<hbm>>) target(%dma_start3A_338 : memref<128x128xf32, #tpu.memory_space<vmem>>) offsets(%dma_start3A_341 : memref<128xi32, #tpu.memory_space<vmem>>) semaphore(%arg13 : memref<!tpu.dma_semaphore, #tpu.memory_space<semaphore_mem>>)
    %dma_wait3A_345 = arith.constant 3 : i32
    %dma_wait3A_346 = arith.constant 0 : i32
    %dma_wait3A_347 = arith.constant 0 : i32
    %dma_wait3A_348 = tpu.memref_slice %arg8[%dma_wait3A_346, %dma_wait3A_347] : memref<128x128xf32, #tpu.memory_space<vmem>> -> memref<128x128xf32, #tpu.memory_space<vmem>>
    %dma_wait3A_349 = arith.constant 0 : i32
    %dma_wait3A_350 = tpu.memref_slice %arg6[%dma_wait3A_345, %dma_wait3A_349] : memref<8x128xi32, #tpu.memory_space<vmem>> -> memref<1x128xi32, #tpu.memory_space<vmem>>
    %dma_wait3A_351 = tpu.memref_squeeze %dma_wait3A_350 : memref<1x128xi32, #tpu.memory_space<vmem>> -> memref<128xi32, #tpu.memory_space<vmem>>
    %dma_wait3A_352 = arith.constant 0 : i32
    %dma_wait3A_353 = arith.constant 0 : i32
    %dma_wait3A_354 = tpu.memref_slice %arg3[%dma_wait3A_352, %dma_wait3A_353] : memref<8192x128xf32, #tpu.memory_space<hbm>> -> memref<8192x128xf32, #tpu.memory_space<hbm>>
    tpu.wait_indirect_dma semaphore(%arg14 : memref<!tpu.dma_semaphore, #tpu.memory_space<semaphore_mem>>) src(%dma_wait3A_354 : memref<8192x128xf32, #tpu.memory_space<hbm>>) dst(%dma_wait3A_348 : memref<128x128xf32, #tpu.memory_space<vmem>>)
    %add3A_355 = arith.constant 384 : i32
    %add3A_356 = arith.addi %mul3A_2, %add3A_355 : i32
    %dma_start3A_357 = arith.constant 1 : i32
    %dma_start3A_358 = arith.constant 0 : i32
    %dma_start3A_359 = tpu.memref_slice %arg5[%dma_start3A_357, %add3A_356, %dma_start3A_358] : memref<2x32768x128xf32, #tpu.memory_space<hbm>> -> memref<1x128x128xf32, #tpu.memory_space<hbm>>
    %dma_start3A_360 = tpu.memref_squeeze %dma_start3A_359 : memref<1x128x128xf32, #tpu.memory_space<hbm>> -> memref<128x128xf32, #tpu.memory_space<hbm>>
    %dma_start3A_361 = arith.constant 0 : i32
    %dma_start3A_362 = tpu.memref_slice %arg5[%dma_start3A_357, %add3A_356, %dma_start3A_361] : memref<2x32768x128xf32, #tpu.memory_space<hbm>> -> memref<1x128x128xf32, #tpu.memory_space<hbm>>
    %dma_start3A_363 = tpu.memref_squeeze %dma_start3A_362 : memref<1x128x128xf32, #tpu.memory_space<hbm>> -> memref<128x128xf32, #tpu.memory_space<hbm>>
    tpu.enqueue_dma source(%arg8 : memref<128x128xf32, #tpu.memory_space<vmem>>) target(%dma_start3A_363 : memref<128x128xf32, #tpu.memory_space<hbm>>) target_semaphore(%arg20 : memref<!tpu.dma_semaphore, #tpu.memory_space<semaphore_mem>>)
    %dma_wait3A_364 = arith.constant 1 : i32
    %dma_wait3A_365 = arith.constant 0 : i32
    %dma_wait3A_366 = tpu.memref_slice %arg5[%dma_wait3A_364, %add3A_356, %dma_wait3A_365] : memref<2x32768x128xf32, #tpu.memory_space<hbm>> -> memref<1x128x128xf32, #tpu.memory_space<hbm>>
    %dma_wait3A_367 = tpu.memref_squeeze %dma_wait3A_366 : memref<1x128x128xf32, #tpu.memory_space<hbm>> -> memref<128x128xf32, #tpu.memory_space<hbm>>
    %dma_wait3A_368 = arith.constant 0 : i32
    %dma_wait3A_369 = tpu.memref_slice %arg5[%dma_wait3A_364, %add3A_356, %dma_wait3A_368] : memref<2x32768x128xf32, #tpu.memory_space<hbm>> -> memref<1x128x128xf32, #tpu.memory_space<hbm>>
    %dma_wait3A_370 = tpu.memref_squeeze %dma_wait3A_369 : memref<1x128x128xf32, #tpu.memory_space<hbm>> -> memref<128x128xf32, #tpu.memory_space<hbm>>
    tpu.wait_dma2 semaphore(%arg20 : memref<!tpu.dma_semaphore, #tpu.memory_space<semaphore_mem>>) src(%arg8 : memref<128x128xf32, #tpu.memory_space<vmem>>) dst(%dma_wait3A_370 : memref<128x128xf32, #tpu.memory_space<hbm>>)
    %dma_start3A_371 = arith.constant 6 : i32
    %dma_start3A_372 = arith.constant 0 : i32
    %dma_start3A_373 = arith.constant 0 : i32
    %dma_start3A_374 = tpu.memref_slice %arg8[%dma_start3A_372, %dma_start3A_373] : memref<128x128xf32, #tpu.memory_space<vmem>> -> memref<128x128xf32, #tpu.memory_space<vmem>>
    %dma_start3A_375 = arith.constant 0 : i32
    %dma_start3A_376 = tpu.memref_slice %arg6[%dma_start3A_371, %dma_start3A_375] : memref<8x128xi32, #tpu.memory_space<vmem>> -> memref<1x128xi32, #tpu.memory_space<vmem>>
    %dma_start3A_377 = tpu.memref_squeeze %dma_start3A_376 : memref<1x128xi32, #tpu.memory_space<vmem>> -> memref<128xi32, #tpu.memory_space<vmem>>
    %dma_start3A_378 = arith.constant 0 : i32
    %dma_start3A_379 = arith.constant 0 : i32
    %dma_start3A_380 = tpu.memref_slice %arg3[%dma_start3A_378, %dma_start3A_379] : memref<8192x128xf32, #tpu.memory_space<hbm>> -> memref<8192x128xf32, #tpu.memory_space<hbm>>
    tpu.enqueue_indirect_dma source(%dma_start3A_380 : memref<8192x128xf32, #tpu.memory_space<hbm>>) target(%dma_start3A_374 : memref<128x128xf32, #tpu.memory_space<vmem>>) offsets(%dma_start3A_377 : memref<128xi32, #tpu.memory_space<vmem>>) semaphore(%arg14 : memref<!tpu.dma_semaphore, #tpu.memory_space<semaphore_mem>>)
    %dma_wait3A_381 = arith.constant 4 : i32
    %dma_wait3A_382 = arith.constant 0 : i32
    %dma_wait3A_383 = arith.constant 0 : i32
    %dma_wait3A_384 = tpu.memref_slice %arg9[%dma_wait3A_382, %dma_wait3A_383] : memref<128x128xf32, #tpu.memory_space<vmem>> -> memref<128x128xf32, #tpu.memory_space<vmem>>
    %dma_wait3A_385 = arith.constant 0 : i32
    %dma_wait3A_386 = tpu.memref_slice %arg6[%dma_wait3A_381, %dma_wait3A_385] : memref<8x128xi32, #tpu.memory_space<vmem>> -> memref<1x128xi32, #tpu.memory_space<vmem>>
    %dma_wait3A_387 = tpu.memref_squeeze %dma_wait3A_386 : memref<1x128xi32, #tpu.memory_space<vmem>> -> memref<128xi32, #tpu.memory_space<vmem>>
    %dma_wait3A_388 = arith.constant 0 : i32
    %dma_wait3A_389 = arith.constant 0 : i32
    %dma_wait3A_390 = tpu.memref_slice %arg2[%dma_wait3A_388, %dma_wait3A_389] : memref<8192x128xf32, #tpu.memory_space<hbm>> -> memref<8192x128xf32, #tpu.memory_space<hbm>>
    tpu.wait_indirect_dma semaphore(%arg15 : memref<!tpu.dma_semaphore, #tpu.memory_space<semaphore_mem>>) src(%dma_wait3A_390 : memref<8192x128xf32, #tpu.memory_space<hbm>>) dst(%dma_wait3A_384 : memref<128x128xf32, #tpu.memory_space<vmem>>)
    %add3A_391 = arith.constant 512 : i32
    %add3A_392 = arith.addi %mul3A_2, %add3A_391 : i32
    %dma_start3A_393 = arith.constant 0 : i32
    %dma_start3A_394 = arith.constant 0 : i32
    %dma_start3A_395 = tpu.memref_slice %arg5[%dma_start3A_393, %add3A_392, %dma_start3A_394] : memref<2x32768x128xf32, #tpu.memory_space<hbm>> -> memref<1x128x128xf32, #tpu.memory_space<hbm>>
    %dma_start3A_396 = tpu.memref_squeeze %dma_start3A_395 : memref<1x128x128xf32, #tpu.memory_space<hbm>> -> memref<128x128xf32, #tpu.memory_space<hbm>>
    %dma_start3A_397 = arith.constant 0 : i32
    %dma_start3A_398 = tpu.memref_slice %arg5[%dma_start3A_393, %add3A_392, %dma_start3A_397] : memref<2x32768x128xf32, #tpu.memory_space<hbm>> -> memref<1x128x128xf32, #tpu.memory_space<hbm>>
    %dma_start3A_399 = tpu.memref_squeeze %dma_start3A_398 : memref<1x128x128xf32, #tpu.memory_space<hbm>> -> memref<128x128xf32, #tpu.memory_space<hbm>>
    tpu.enqueue_dma source(%arg9 : memref<128x128xf32, #tpu.memory_space<vmem>>) target(%dma_start3A_399 : memref<128x128xf32, #tpu.memory_space<hbm>>) target_semaphore(%arg21 : memref<!tpu.dma_semaphore, #tpu.memory_space<semaphore_mem>>)
    %dma_wait3A_400 = arith.constant 0 : i32
    %dma_wait3A_401 = arith.constant 0 : i32
    %dma_wait3A_402 = tpu.memref_slice %arg5[%dma_wait3A_400, %add3A_392, %dma_wait3A_401] : memref<2x32768x128xf32, #tpu.memory_space<hbm>> -> memref<1x128x128xf32, #tpu.memory_space<hbm>>
    %dma_wait3A_403 = tpu.memref_squeeze %dma_wait3A_402 : memref<1x128x128xf32, #tpu.memory_space<hbm>> -> memref<128x128xf32, #tpu.memory_space<hbm>>
    %dma_wait3A_404 = arith.constant 0 : i32
    %dma_wait3A_405 = tpu.memref_slice %arg5[%dma_wait3A_400, %add3A_392, %dma_wait3A_404] : memref<2x32768x128xf32, #tpu.memory_space<hbm>> -> memref<1x128x128xf32, #tpu.memory_space<hbm>>
    %dma_wait3A_406 = tpu.memref_squeeze %dma_wait3A_405 : memref<1x128x128xf32, #tpu.memory_space<hbm>> -> memref<128x128xf32, #tpu.memory_space<hbm>>
    tpu.wait_dma2 semaphore(%arg21 : memref<!tpu.dma_semaphore, #tpu.memory_space<semaphore_mem>>) src(%arg9 : memref<128x128xf32, #tpu.memory_space<vmem>>) dst(%dma_wait3A_406 : memref<128x128xf32, #tpu.memory_space<hbm>>)
    %dma_start3A_407 = arith.constant 7 : i32
    %dma_start3A_408 = arith.constant 0 : i32
    %dma_start3A_409 = arith.constant 0 : i32
    %dma_start3A_410 = tpu.memref_slice %arg9[%dma_start3A_408, %dma_start3A_409] : memref<128x128xf32, #tpu.memory_space<vmem>> -> memref<128x128xf32, #tpu.memory_space<vmem>>
    %dma_start3A_411 = arith.constant 0 : i32
    %dma_start3A_412 = tpu.memref_slice %arg6[%dma_start3A_407, %dma_start3A_411] : memref<8x128xi32, #tpu.memory_space<vmem>> -> memref<1x128xi32, #tpu.memory_space<vmem>>
    %dma_start3A_413 = tpu.memref_squeeze %dma_start3A_412 : memref<1x128xi32, #tpu.memory_space<vmem>> -> memref<128xi32, #tpu.memory_space<vmem>>
    %dma_start3A_414 = arith.constant 0 : i32
    %dma_start3A_415 = arith.constant 0 : i32
    %dma_start3A_416 = tpu.memref_slice %arg2[%dma_start3A_414, %dma_start3A_415] : memref<8192x128xf32, #tpu.memory_space<hbm>> -> memref<8192x128xf32, #tpu.memory_space<hbm>>
    tpu.enqueue_indirect_dma source(%dma_start3A_416 : memref<8192x128xf32, #tpu.memory_space<hbm>>) target(%dma_start3A_410 : memref<128x128xf32, #tpu.memory_space<vmem>>) offsets(%dma_start3A_413 : memref<128xi32, #tpu.memory_space<vmem>>) semaphore(%arg15 : memref<!tpu.dma_semaphore, #tpu.memory_space<semaphore_mem>>)
    %dma_wait3A_417 = arith.constant 4 : i32
    %dma_wait3A_418 = arith.constant 0 : i32
    %dma_wait3A_419 = arith.constant 0 : i32
    %dma_wait3A_420 = tpu.memref_slice %arg10[%dma_wait3A_418, %dma_wait3A_419] : memref<128x128xf32, #tpu.memory_space<vmem>> -> memref<128x128xf32, #tpu.memory_space<vmem>>
    %dma_wait3A_421 = arith.constant 0 : i32
    %dma_wait3A_422 = tpu.memref_slice %arg6[%dma_wait3A_417, %dma_wait3A_421] : memref<8x128xi32, #tpu.memory_space<vmem>> -> memref<1x128xi32, #tpu.memory_space<vmem>>
    %dma_wait3A_423 = tpu.memref_squeeze %dma_wait3A_422 : memref<1x128xi32, #tpu.memory_space<vmem>> -> memref<128xi32, #tpu.memory_space<vmem>>
    %dma_wait3A_424 = arith.constant 0 : i32
    %dma_wait3A_425 = arith.constant 0 : i32
    %dma_wait3A_426 = tpu.memref_slice %arg3[%dma_wait3A_424, %dma_wait3A_425] : memref<8192x128xf32, #tpu.memory_space<hbm>> -> memref<8192x128xf32, #tpu.memory_space<hbm>>
    tpu.wait_indirect_dma semaphore(%arg16 : memref<!tpu.dma_semaphore, #tpu.memory_space<semaphore_mem>>) src(%dma_wait3A_426 : memref<8192x128xf32, #tpu.memory_space<hbm>>) dst(%dma_wait3A_420 : memref<128x128xf32, #tpu.memory_space<vmem>>)
    %add3A_427 = arith.constant 512 : i32
    %add3A_428 = arith.addi %mul3A_2, %add3A_427 : i32
    %dma_start3A_429 = arith.constant 1 : i32
    %dma_start3A_430 = arith.constant 0 : i32
    %dma_start3A_431 = tpu.memref_slice %arg5[%dma_start3A_429, %add3A_428, %dma_start3A_430] : memref<2x32768x128xf32, #tpu.memory_space<hbm>> -> memref<1x128x128xf32, #tpu.memory_space<hbm>>
    %dma_start3A_432 = tpu.memref_squeeze %dma_start3A_431 : memref<1x128x128xf32, #tpu.memory_space<hbm>> -> memref<128x128xf32, #tpu.memory_space<hbm>>
    %dma_start3A_433 = arith.constant 0 : i32
    %dma_start3A_434 = tpu.memref_slice %arg5[%dma_start3A_429, %add3A_428, %dma_start3A_433] : memref<2x32768x128xf32, #tpu.memory_space<hbm>> -> memref<1x128x128xf32, #tpu.memory_space<hbm>>
    %dma_start3A_435 = tpu.memref_squeeze %dma_start3A_434 : memref<1x128x128xf32, #tpu.memory_space<hbm>> -> memref<128x128xf32, #tpu.memory_space<hbm>>
    tpu.enqueue_dma source(%arg10 : memref<128x128xf32, #tpu.memory_space<vmem>>) target(%dma_start3A_435 : memref<128x128xf32, #tpu.memory_space<hbm>>) target_semaphore(%arg22 : memref<!tpu.dma_semaphore, #tpu.memory_space<semaphore_mem>>)
    %dma_wait3A_436 = arith.constant 1 : i32
    %dma_wait3A_437 = arith.constant 0 : i32
    %dma_wait3A_438 = tpu.memref_slice %arg5[%dma_wait3A_436, %add3A_428, %dma_wait3A_437] : memref<2x32768x128xf32, #tpu.memory_space<hbm>> -> memref<1x128x128xf32, #tpu.memory_space<hbm>>
    %dma_wait3A_439 = tpu.memref_squeeze %dma_wait3A_438 : memref<1x128x128xf32, #tpu.memory_space<hbm>> -> memref<128x128xf32, #tpu.memory_space<hbm>>
    %dma_wait3A_440 = arith.constant 0 : i32
    %dma_wait3A_441 = tpu.memref_slice %arg5[%dma_wait3A_436, %add3A_428, %dma_wait3A_440] : memref<2x32768x128xf32, #tpu.memory_space<hbm>> -> memref<1x128x128xf32, #tpu.memory_space<hbm>>
    %dma_wait3A_442 = tpu.memref_squeeze %dma_wait3A_441 : memref<1x128x128xf32, #tpu.memory_space<hbm>> -> memref<128x128xf32, #tpu.memory_space<hbm>>
    tpu.wait_dma2 semaphore(%arg22 : memref<!tpu.dma_semaphore, #tpu.memory_space<semaphore_mem>>) src(%arg10 : memref<128x128xf32, #tpu.memory_space<vmem>>) dst(%dma_wait3A_442 : memref<128x128xf32, #tpu.memory_space<hbm>>)
    %dma_start3A_443 = arith.constant 7 : i32
    %dma_start3A_444 = arith.constant 0 : i32
    %dma_start3A_445 = arith.constant 0 : i32
    %dma_start3A_446 = tpu.memref_slice %arg10[%dma_start3A_444, %dma_start3A_445] : memref<128x128xf32, #tpu.memory_space<vmem>> -> memref<128x128xf32, #tpu.memory_space<vmem>>
    %dma_start3A_447 = arith.constant 0 : i32
    %dma_start3A_448 = tpu.memref_slice %arg6[%dma_start3A_443, %dma_start3A_447] : memref<8x128xi32, #tpu.memory_space<vmem>> -> memref<1x128xi32, #tpu.memory_space<vmem>>
    %dma_start3A_449 = tpu.memref_squeeze %dma_start3A_448 : memref<1x128xi32, #tpu.memory_space<vmem>> -> memref<128xi32, #tpu.memory_space<vmem>>
    %dma_start3A_450 = arith.constant 0 : i32
    %dma_start3A_451 = arith.constant 0 : i32
    %dma_start3A_452 = tpu.memref_slice %arg3[%dma_start3A_450, %dma_start3A_451] : memref<8192x128xf32, #tpu.memory_space<hbm>> -> memref<8192x128xf32, #tpu.memory_space<hbm>>
    tpu.enqueue_indirect_dma source(%dma_start3A_452 : memref<8192x128xf32, #tpu.memory_space<hbm>>) target(%dma_start3A_446 : memref<128x128xf32, #tpu.memory_space<vmem>>) offsets(%dma_start3A_449 : memref<128xi32, #tpu.memory_space<vmem>>) semaphore(%arg16 : memref<!tpu.dma_semaphore, #tpu.memory_space<semaphore_mem>>)
    %dma_wait3A_453 = arith.constant 5 : i32
    %dma_wait3A_454 = arith.constant 0 : i32
    %dma_wait3A_455 = arith.constant 0 : i32
    %dma_wait3A_456 = tpu.memref_slice %arg11[%dma_wait3A_454, %dma_wait3A_455] : memref<128x128xf32, #tpu.memory_space<vmem>> -> memref<128x128xf32, #tpu.memory_space<vmem>>
    %dma_wait3A_457 = arith.constant 0 : i32
    %dma_wait3A_458 = tpu.memref_slice %arg6[%dma_wait3A_453, %dma_wait3A_457] : memref<8x128xi32, #tpu.memory_space<vmem>> -> memref<1x128xi32, #tpu.memory_space<vmem>>
    %dma_wait3A_459 = tpu.memref_squeeze %dma_wait3A_458 : memref<1x128xi32, #tpu.memory_space<vmem>> -> memref<128xi32, #tpu.memory_space<vmem>>
    %dma_wait3A_460 = arith.constant 0 : i32
    %dma_wait3A_461 = arith.constant 0 : i32
    %dma_wait3A_462 = tpu.memref_slice %arg2[%dma_wait3A_460, %dma_wait3A_461] : memref<8192x128xf32, #tpu.memory_space<hbm>> -> memref<8192x128xf32, #tpu.memory_space<hbm>>
    tpu.wait_indirect_dma semaphore(%arg17 : memref<!tpu.dma_semaphore, #tpu.memory_space<semaphore_mem>>) src(%dma_wait3A_462 : memref<8192x128xf32, #tpu.memory_space<hbm>>) dst(%dma_wait3A_456 : memref<128x128xf32, #tpu.memory_space<vmem>>)
    %add3A_463 = arith.constant 640 : i32
    %add3A_464 = arith.addi %mul3A_2, %add3A_463 : i32
    %dma_start3A_465 = arith.constant 0 : i32
    %dma_start3A_466 = arith.constant 0 : i32
    %dma_start3A_467 = tpu.memref_slice %arg5[%dma_start3A_465, %add3A_464, %dma_start3A_466] : memref<2x32768x128xf32, #tpu.memory_space<hbm>> -> memref<1x128x128xf32, #tpu.memory_space<hbm>>
    %dma_start3A_468 = tpu.memref_squeeze %dma_start3A_467 : memref<1x128x128xf32, #tpu.memory_space<hbm>> -> memref<128x128xf32, #tpu.memory_space<hbm>>
    %dma_start3A_469 = arith.constant 0 : i32
    %dma_start3A_470 = tpu.memref_slice %arg5[%dma_start3A_465, %add3A_464, %dma_start3A_469] : memref<2x32768x128xf32, #tpu.memory_space<hbm>> -> memref<1x128x128xf32, #tpu.memory_space<hbm>>
    %dma_start3A_471 = tpu.memref_squeeze %dma_start3A_470 : memref<1x128x128xf32, #tpu.memory_space<hbm>> -> memref<128x128xf32, #tpu.memory_space<hbm>>
    tpu.enqueue_dma source(%arg11 : memref<128x128xf32, #tpu.memory_space<vmem>>) target(%dma_start3A_471 : memref<128x128xf32, #tpu.memory_space<hbm>>) target_semaphore(%arg23 : memref<!tpu.dma_semaphore, #tpu.memory_space<semaphore_mem>>)
    %dma_wait3A_472 = arith.constant 5 : i32
    %dma_wait3A_473 = arith.constant 0 : i32
    %dma_wait3A_474 = arith.constant 0 : i32
    %dma_wait3A_475 = tpu.memref_slice %arg12[%dma_wait3A_473, %dma_wait3A_474] : memref<128x128xf32, #tpu.memory_space<vmem>> -> memref<128x128xf32, #tpu.memory_space<vmem>>
    %dma_wait3A_476 = arith.constant 0 : i32
    %dma_wait3A_477 = tpu.memref_slice %arg6[%dma_wait3A_472, %dma_wait3A_476] : memref<8x128xi32, #tpu.memory_space<vmem>> -> memref<1x128xi32, #tpu.memory_space<vmem>>
    %dma_wait3A_478 = tpu.memref_squeeze %dma_wait3A_477 : memref<1x128xi32, #tpu.memory_space<vmem>> -> memref<128xi32, #tpu.memory_space<vmem>>
    %dma_wait3A_479 = arith.constant 0 : i32
    %dma_wait3A_480 = arith.constant 0 : i32
    %dma_wait3A_481 = tpu.memref_slice %arg3[%dma_wait3A_479, %dma_wait3A_480] : memref<8192x128xf32, #tpu.memory_space<hbm>> -> memref<8192x128xf32, #tpu.memory_space<hbm>>
    tpu.wait_indirect_dma semaphore(%arg18 : memref<!tpu.dma_semaphore, #tpu.memory_space<semaphore_mem>>) src(%dma_wait3A_481 : memref<8192x128xf32, #tpu.memory_space<hbm>>) dst(%dma_wait3A_475 : memref<128x128xf32, #tpu.memory_space<vmem>>)
    %add3A_482 = arith.constant 640 : i32
    %add3A_483 = arith.addi %mul3A_2, %add3A_482 : i32
    %dma_start3A_484 = arith.constant 1 : i32
    %dma_start3A_485 = arith.constant 0 : i32
    %dma_start3A_486 = tpu.memref_slice %arg5[%dma_start3A_484, %add3A_483, %dma_start3A_485] : memref<2x32768x128xf32, #tpu.memory_space<hbm>> -> memref<1x128x128xf32, #tpu.memory_space<hbm>>
    %dma_start3A_487 = tpu.memref_squeeze %dma_start3A_486 : memref<1x128x128xf32, #tpu.memory_space<hbm>> -> memref<128x128xf32, #tpu.memory_space<hbm>>
    %dma_start3A_488 = arith.constant 0 : i32
    %dma_start3A_489 = tpu.memref_slice %arg5[%dma_start3A_484, %add3A_483, %dma_start3A_488] : memref<2x32768x128xf32, #tpu.memory_space<hbm>> -> memref<1x128x128xf32, #tpu.memory_space<hbm>>
    %dma_start3A_490 = tpu.memref_squeeze %dma_start3A_489 : memref<1x128x128xf32, #tpu.memory_space<hbm>> -> memref<128x128xf32, #tpu.memory_space<hbm>>
    tpu.enqueue_dma source(%arg12 : memref<128x128xf32, #tpu.memory_space<vmem>>) target(%dma_start3A_490 : memref<128x128xf32, #tpu.memory_space<hbm>>) target_semaphore(%arg24 : memref<!tpu.dma_semaphore, #tpu.memory_space<semaphore_mem>>)
    %dma_wait3A_491 = arith.constant 6 : i32
    %dma_wait3A_492 = arith.constant 0 : i32
    %dma_wait3A_493 = arith.constant 0 : i32
    %dma_wait3A_494 = tpu.memref_slice %arg7[%dma_wait3A_492, %dma_wait3A_493] : memref<128x128xf32, #tpu.memory_space<vmem>> -> memref<128x128xf32, #tpu.memory_space<vmem>>
    %dma_wait3A_495 = arith.constant 0 : i32
    %dma_wait3A_496 = tpu.memref_slice %arg6[%dma_wait3A_491, %dma_wait3A_495] : memref<8x128xi32, #tpu.memory_space<vmem>> -> memref<1x128xi32, #tpu.memory_space<vmem>>
    %dma_wait3A_497 = tpu.memref_squeeze %dma_wait3A_496 : memref<1x128xi32, #tpu.memory_space<vmem>> -> memref<128xi32, #tpu.memory_space<vmem>>
    %dma_wait3A_498 = arith.constant 0 : i32
    %dma_wait3A_499 = arith.constant 0 : i32
    %dma_wait3A_500 = tpu.memref_slice %arg2[%dma_wait3A_498, %dma_wait3A_499] : memref<8192x128xf32, #tpu.memory_space<hbm>> -> memref<8192x128xf32, #tpu.memory_space<hbm>>
    tpu.wait_indirect_dma semaphore(%arg13 : memref<!tpu.dma_semaphore, #tpu.memory_space<semaphore_mem>>) src(%dma_wait3A_500 : memref<8192x128xf32, #tpu.memory_space<hbm>>) dst(%dma_wait3A_494 : memref<128x128xf32, #tpu.memory_space<vmem>>)
    %add3A_501 = arith.constant 768 : i32
    %add3A_502 = arith.addi %mul3A_2, %add3A_501 : i32
    %dma_start3A_503 = arith.constant 0 : i32
    %dma_start3A_504 = arith.constant 0 : i32
    %dma_start3A_505 = tpu.memref_slice %arg5[%dma_start3A_503, %add3A_502, %dma_start3A_504] : memref<2x32768x128xf32, #tpu.memory_space<hbm>> -> memref<1x128x128xf32, #tpu.memory_space<hbm>>
    %dma_start3A_506 = tpu.memref_squeeze %dma_start3A_505 : memref<1x128x128xf32, #tpu.memory_space<hbm>> -> memref<128x128xf32, #tpu.memory_space<hbm>>
    %dma_start3A_507 = arith.constant 0 : i32
    %dma_start3A_508 = tpu.memref_slice %arg5[%dma_start3A_503, %add3A_502, %dma_start3A_507] : memref<2x32768x128xf32, #tpu.memory_space<hbm>> -> memref<1x128x128xf32, #tpu.memory_space<hbm>>
    %dma_start3A_509 = tpu.memref_squeeze %dma_start3A_508 : memref<1x128x128xf32, #tpu.memory_space<hbm>> -> memref<128x128xf32, #tpu.memory_space<hbm>>
    tpu.enqueue_dma source(%arg7 : memref<128x128xf32, #tpu.memory_space<vmem>>) target(%dma_start3A_509 : memref<128x128xf32, #tpu.memory_space<hbm>>) target_semaphore(%arg19 : memref<!tpu.dma_semaphore, #tpu.memory_space<semaphore_mem>>)
    %dma_wait3A_510 = arith.constant 6 : i32
    %dma_wait3A_511 = arith.constant 0 : i32
    %dma_wait3A_512 = arith.constant 0 : i32
    %dma_wait3A_513 = tpu.memref_slice %arg8[%dma_wait3A_511, %dma_wait3A_512] : memref<128x128xf32, #tpu.memory_space<vmem>> -> memref<128x128xf32, #tpu.memory_space<vmem>>
    %dma_wait3A_514 = arith.constant 0 : i32
    %dma_wait3A_515 = tpu.memref_slice %arg6[%dma_wait3A_510, %dma_wait3A_514] : memref<8x128xi32, #tpu.memory_space<vmem>> -> memref<1x128xi32, #tpu.memory_space<vmem>>
    %dma_wait3A_516 = tpu.memref_squeeze %dma_wait3A_515 : memref<1x128xi32, #tpu.memory_space<vmem>> -> memref<128xi32, #tpu.memory_space<vmem>>
    %dma_wait3A_517 = arith.constant 0 : i32
    %dma_wait3A_518 = arith.constant 0 : i32
    %dma_wait3A_519 = tpu.memref_slice %arg3[%dma_wait3A_517, %dma_wait3A_518] : memref<8192x128xf32, #tpu.memory_space<hbm>> -> memref<8192x128xf32, #tpu.memory_space<hbm>>
    tpu.wait_indirect_dma semaphore(%arg14 : memref<!tpu.dma_semaphore, #tpu.memory_space<semaphore_mem>>) src(%dma_wait3A_519 : memref<8192x128xf32, #tpu.memory_space<hbm>>) dst(%dma_wait3A_513 : memref<128x128xf32, #tpu.memory_space<vmem>>)
    %add3A_520 = arith.constant 768 : i32
    %add3A_521 = arith.addi %mul3A_2, %add3A_520 : i32
    %dma_start3A_522 = arith.constant 1 : i32
    %dma_start3A_523 = arith.constant 0 : i32
    %dma_start3A_524 = tpu.memref_slice %arg5[%dma_start3A_522, %add3A_521, %dma_start3A_523] : memref<2x32768x128xf32, #tpu.memory_space<hbm>> -> memref<1x128x128xf32, #tpu.memory_space<hbm>>
    %dma_start3A_525 = tpu.memref_squeeze %dma_start3A_524 : memref<1x128x128xf32, #tpu.memory_space<hbm>> -> memref<128x128xf32, #tpu.memory_space<hbm>>
    %dma_start3A_526 = arith.constant 0 : i32
    %dma_start3A_527 = tpu.memref_slice %arg5[%dma_start3A_522, %add3A_521, %dma_start3A_526] : memref<2x32768x128xf32, #tpu.memory_space<hbm>> -> memref<1x128x128xf32, #tpu.memory_space<hbm>>
    %dma_start3A_528 = tpu.memref_squeeze %dma_start3A_527 : memref<1x128x128xf32, #tpu.memory_space<hbm>> -> memref<128x128xf32, #tpu.memory_space<hbm>>
    tpu.enqueue_dma source(%arg8 : memref<128x128xf32, #tpu.memory_space<vmem>>) target(%dma_start3A_528 : memref<128x128xf32, #tpu.memory_space<hbm>>) target_semaphore(%arg20 : memref<!tpu.dma_semaphore, #tpu.memory_space<semaphore_mem>>)
    %dma_wait3A_529 = arith.constant 7 : i32
    %dma_wait3A_530 = arith.constant 0 : i32
    %dma_wait3A_531 = arith.constant 0 : i32
    %dma_wait3A_532 = tpu.memref_slice %arg9[%dma_wait3A_530, %dma_wait3A_531] : memref<128x128xf32, #tpu.memory_space<vmem>> -> memref<128x128xf32, #tpu.memory_space<vmem>>
    %dma_wait3A_533 = arith.constant 0 : i32
    %dma_wait3A_534 = tpu.memref_slice %arg6[%dma_wait3A_529, %dma_wait3A_533] : memref<8x128xi32, #tpu.memory_space<vmem>> -> memref<1x128xi32, #tpu.memory_space<vmem>>
    %dma_wait3A_535 = tpu.memref_squeeze %dma_wait3A_534 : memref<1x128xi32, #tpu.memory_space<vmem>> -> memref<128xi32, #tpu.memory_space<vmem>>
    %dma_wait3A_536 = arith.constant 0 : i32
    %dma_wait3A_537 = arith.constant 0 : i32
    %dma_wait3A_538 = tpu.memref_slice %arg2[%dma_wait3A_536, %dma_wait3A_537] : memref<8192x128xf32, #tpu.memory_space<hbm>> -> memref<8192x128xf32, #tpu.memory_space<hbm>>
    tpu.wait_indirect_dma semaphore(%arg15 : memref<!tpu.dma_semaphore, #tpu.memory_space<semaphore_mem>>) src(%dma_wait3A_538 : memref<8192x128xf32, #tpu.memory_space<hbm>>) dst(%dma_wait3A_532 : memref<128x128xf32, #tpu.memory_space<vmem>>)
    %add3A_539 = arith.constant 896 : i32
    %add3A_540 = arith.addi %mul3A_2, %add3A_539 : i32
    %dma_start3A_541 = arith.constant 0 : i32
    %dma_start3A_542 = arith.constant 0 : i32
    %dma_start3A_543 = tpu.memref_slice %arg5[%dma_start3A_541, %add3A_540, %dma_start3A_542] : memref<2x32768x128xf32, #tpu.memory_space<hbm>> -> memref<1x128x128xf32, #tpu.memory_space<hbm>>
    %dma_start3A_544 = tpu.memref_squeeze %dma_start3A_543 : memref<1x128x128xf32, #tpu.memory_space<hbm>> -> memref<128x128xf32, #tpu.memory_space<hbm>>
    %dma_start3A_545 = arith.constant 0 : i32
    %dma_start3A_546 = tpu.memref_slice %arg5[%dma_start3A_541, %add3A_540, %dma_start3A_545] : memref<2x32768x128xf32, #tpu.memory_space<hbm>> -> memref<1x128x128xf32, #tpu.memory_space<hbm>>
    %dma_start3A_547 = tpu.memref_squeeze %dma_start3A_546 : memref<1x128x128xf32, #tpu.memory_space<hbm>> -> memref<128x128xf32, #tpu.memory_space<hbm>>
    tpu.enqueue_dma source(%arg9 : memref<128x128xf32, #tpu.memory_space<vmem>>) target(%dma_start3A_547 : memref<128x128xf32, #tpu.memory_space<hbm>>) target_semaphore(%arg21 : memref<!tpu.dma_semaphore, #tpu.memory_space<semaphore_mem>>)
    %dma_wait3A_548 = arith.constant 7 : i32
    %dma_wait3A_549 = arith.constant 0 : i32
    %dma_wait3A_550 = arith.constant 0 : i32
    %dma_wait3A_551 = tpu.memref_slice %arg10[%dma_wait3A_549, %dma_wait3A_550] : memref<128x128xf32, #tpu.memory_space<vmem>> -> memref<128x128xf32, #tpu.memory_space<vmem>>
    %dma_wait3A_552 = arith.constant 0 : i32
    %dma_wait3A_553 = tpu.memref_slice %arg6[%dma_wait3A_548, %dma_wait3A_552] : memref<8x128xi32, #tpu.memory_space<vmem>> -> memref<1x128xi32, #tpu.memory_space<vmem>>
    %dma_wait3A_554 = tpu.memref_squeeze %dma_wait3A_553 : memref<1x128xi32, #tpu.memory_space<vmem>> -> memref<128xi32, #tpu.memory_space<vmem>>
    %dma_wait3A_555 = arith.constant 0 : i32
    %dma_wait3A_556 = arith.constant 0 : i32
    %dma_wait3A_557 = tpu.memref_slice %arg3[%dma_wait3A_555, %dma_wait3A_556] : memref<8192x128xf32, #tpu.memory_space<hbm>> -> memref<8192x128xf32, #tpu.memory_space<hbm>>
    tpu.wait_indirect_dma semaphore(%arg16 : memref<!tpu.dma_semaphore, #tpu.memory_space<semaphore_mem>>) src(%dma_wait3A_557 : memref<8192x128xf32, #tpu.memory_space<hbm>>) dst(%dma_wait3A_551 : memref<128x128xf32, #tpu.memory_space<vmem>>)
    %add3A_558 = arith.constant 896 : i32
    %add3A_559 = arith.addi %mul3A_2, %add3A_558 : i32
    %dma_start3A_560 = arith.constant 1 : i32
    %dma_start3A_561 = arith.constant 0 : i32
    %dma_start3A_562 = tpu.memref_slice %arg5[%dma_start3A_560, %add3A_559, %dma_start3A_561] : memref<2x32768x128xf32, #tpu.memory_space<hbm>> -> memref<1x128x128xf32, #tpu.memory_space<hbm>>
    %dma_start3A_563 = tpu.memref_squeeze %dma_start3A_562 : memref<1x128x128xf32, #tpu.memory_space<hbm>> -> memref<128x128xf32, #tpu.memory_space<hbm>>
    %dma_start3A_564 = arith.constant 0 : i32
    %dma_start3A_565 = tpu.memref_slice %arg5[%dma_start3A_560, %add3A_559, %dma_start3A_564] : memref<2x32768x128xf32, #tpu.memory_space<hbm>> -> memref<1x128x128xf32, #tpu.memory_space<hbm>>
    %dma_start3A_566 = tpu.memref_squeeze %dma_start3A_565 : memref<1x128x128xf32, #tpu.memory_space<hbm>> -> memref<128x128xf32, #tpu.memory_space<hbm>>
    tpu.enqueue_dma source(%arg10 : memref<128x128xf32, #tpu.memory_space<vmem>>) target(%dma_start3A_566 : memref<128x128xf32, #tpu.memory_space<hbm>>) target_semaphore(%arg22 : memref<!tpu.dma_semaphore, #tpu.memory_space<semaphore_mem>>)
    %dma_wait3A_567 = arith.constant 0 : i32
    %dma_wait3A_568 = arith.constant 0 : i32
    %dma_wait3A_569 = tpu.memref_slice %arg5[%dma_wait3A_567, %add3A_502, %dma_wait3A_568] : memref<2x32768x128xf32, #tpu.memory_space<hbm>> -> memref<1x128x128xf32, #tpu.memory_space<hbm>>
    %dma_wait3A_570 = tpu.memref_squeeze %dma_wait3A_569 : memref<1x128x128xf32, #tpu.memory_space<hbm>> -> memref<128x128xf32, #tpu.memory_space<hbm>>
    %dma_wait3A_571 = arith.constant 0 : i32
    %dma_wait3A_572 = tpu.memref_slice %arg5[%dma_wait3A_567, %add3A_502, %dma_wait3A_571] : memref<2x32768x128xf32, #tpu.memory_space<hbm>> -> memref<1x128x128xf32, #tpu.memory_space<hbm>>
    %dma_wait3A_573 = tpu.memref_squeeze %dma_wait3A_572 : memref<1x128x128xf32, #tpu.memory_space<hbm>> -> memref<128x128xf32, #tpu.memory_space<hbm>>
    tpu.wait_dma2 semaphore(%arg19 : memref<!tpu.dma_semaphore, #tpu.memory_space<semaphore_mem>>) src(%arg7 : memref<128x128xf32, #tpu.memory_space<vmem>>) dst(%dma_wait3A_573 : memref<128x128xf32, #tpu.memory_space<hbm>>)
    %dma_wait3A_574 = arith.constant 1 : i32
    %dma_wait3A_575 = arith.constant 0 : i32
    %dma_wait3A_576 = tpu.memref_slice %arg5[%dma_wait3A_574, %add3A_521, %dma_wait3A_575] : memref<2x32768x128xf32, #tpu.memory_space<hbm>> -> memref<1x128x128xf32, #tpu.memory_space<hbm>>
    %dma_wait3A_577 = tpu.memref_squeeze %dma_wait3A_576 : memref<1x128x128xf32, #tpu.memory_space<hbm>> -> memref<128x128xf32, #tpu.memory_space<hbm>>
    %dma_wait3A_578 = arith.constant 0 : i32
    %dma_wait3A_579 = tpu.memref_slice %arg5[%dma_wait3A_574, %add3A_521, %dma_wait3A_578] : memref<2x32768x128xf32, #tpu.memory_space<hbm>> -> memref<1x128x128xf32, #tpu.memory_space<hbm>>
    %dma_wait3A_580 = tpu.memref_squeeze %dma_wait3A_579 : memref<1x128x128xf32, #tpu.memory_space<hbm>> -> memref<128x128xf32, #tpu.memory_space<hbm>>
    tpu.wait_dma2 semaphore(%arg20 : memref<!tpu.dma_semaphore, #tpu.memory_space<semaphore_mem>>) src(%arg8 : memref<128x128xf32, #tpu.memory_space<vmem>>) dst(%dma_wait3A_580 : memref<128x128xf32, #tpu.memory_space<hbm>>)
    %dma_wait3A_581 = arith.constant 0 : i32
    %dma_wait3A_582 = arith.constant 0 : i32
    %dma_wait3A_583 = tpu.memref_slice %arg5[%dma_wait3A_581, %add3A_540, %dma_wait3A_582] : memref<2x32768x128xf32, #tpu.memory_space<hbm>> -> memref<1x128x128xf32, #tpu.memory_space<hbm>>
    %dma_wait3A_584 = tpu.memref_squeeze %dma_wait3A_583 : memref<1x128x128xf32, #tpu.memory_space<hbm>> -> memref<128x128xf32, #tpu.memory_space<hbm>>
    %dma_wait3A_585 = arith.constant 0 : i32
    %dma_wait3A_586 = tpu.memref_slice %arg5[%dma_wait3A_581, %add3A_540, %dma_wait3A_585] : memref<2x32768x128xf32, #tpu.memory_space<hbm>> -> memref<1x128x128xf32, #tpu.memory_space<hbm>>
    %dma_wait3A_587 = tpu.memref_squeeze %dma_wait3A_586 : memref<1x128x128xf32, #tpu.memory_space<hbm>> -> memref<128x128xf32, #tpu.memory_space<hbm>>
    tpu.wait_dma2 semaphore(%arg21 : memref<!tpu.dma_semaphore, #tpu.memory_space<semaphore_mem>>) src(%arg9 : memref<128x128xf32, #tpu.memory_space<vmem>>) dst(%dma_wait3A_587 : memref<128x128xf32, #tpu.memory_space<hbm>>)
    %dma_wait3A_588 = arith.constant 1 : i32
    %dma_wait3A_589 = arith.constant 0 : i32
    %dma_wait3A_590 = tpu.memref_slice %arg5[%dma_wait3A_588, %add3A_559, %dma_wait3A_589] : memref<2x32768x128xf32, #tpu.memory_space<hbm>> -> memref<1x128x128xf32, #tpu.memory_space<hbm>>
    %dma_wait3A_591 = tpu.memref_squeeze %dma_wait3A_590 : memref<1x128x128xf32, #tpu.memory_space<hbm>> -> memref<128x128xf32, #tpu.memory_space<hbm>>
    %dma_wait3A_592 = arith.constant 0 : i32
    %dma_wait3A_593 = tpu.memref_slice %arg5[%dma_wait3A_588, %add3A_559, %dma_wait3A_592] : memref<2x32768x128xf32, #tpu.memory_space<hbm>> -> memref<1x128x128xf32, #tpu.memory_space<hbm>>
    %dma_wait3A_594 = tpu.memref_squeeze %dma_wait3A_593 : memref<1x128x128xf32, #tpu.memory_space<hbm>> -> memref<128x128xf32, #tpu.memory_space<hbm>>
    tpu.wait_dma2 semaphore(%arg22 : memref<!tpu.dma_semaphore, #tpu.memory_space<semaphore_mem>>) src(%arg10 : memref<128x128xf32, #tpu.memory_space<vmem>>) dst(%dma_wait3A_594 : memref<128x128xf32, #tpu.memory_space<hbm>>)
    %dma_wait3A_595 = arith.constant 0 : i32
    %dma_wait3A_596 = arith.constant 0 : i32
    %dma_wait3A_597 = tpu.memref_slice %arg5[%dma_wait3A_595, %add3A_464, %dma_wait3A_596] : memref<2x32768x128xf32, #tpu.memory_space<hbm>> -> memref<1x128x128xf32, #tpu.memory_space<hbm>>
    %dma_wait3A_598 = tpu.memref_squeeze %dma_wait3A_597 : memref<1x128x128xf32, #tpu.memory_space<hbm>> -> memref<128x128xf32, #tpu.memory_space<hbm>>
    %dma_wait3A_599 = arith.constant 0 : i32
    %dma_wait3A_600 = tpu.memref_slice %arg5[%dma_wait3A_595, %add3A_464, %dma_wait3A_599] : memref<2x32768x128xf32, #tpu.memory_space<hbm>> -> memref<1x128x128xf32, #tpu.memory_space<hbm>>
    %dma_wait3A_601 = tpu.memref_squeeze %dma_wait3A_600 : memref<1x128x128xf32, #tpu.memory_space<hbm>> -> memref<128x128xf32, #tpu.memory_space<hbm>>
    tpu.wait_dma2 semaphore(%arg23 : memref<!tpu.dma_semaphore, #tpu.memory_space<semaphore_mem>>) src(%arg11 : memref<128x128xf32, #tpu.memory_space<vmem>>) dst(%dma_wait3A_601 : memref<128x128xf32, #tpu.memory_space<hbm>>)
    %dma_wait3A_602 = arith.constant 1 : i32
    %dma_wait3A_603 = arith.constant 0 : i32
    %dma_wait3A_604 = tpu.memref_slice %arg5[%dma_wait3A_602, %add3A_483, %dma_wait3A_603] : memref<2x32768x128xf32, #tpu.memory_space<hbm>> -> memref<1x128x128xf32, #tpu.memory_space<hbm>>
    %dma_wait3A_605 = tpu.memref_squeeze %dma_wait3A_604 : memref<1x128x128xf32, #tpu.memory_space<hbm>> -> memref<128x128xf32, #tpu.memory_space<hbm>>
    %dma_wait3A_606 = arith.constant 0 : i32
    %dma_wait3A_607 = tpu.memref_slice %arg5[%dma_wait3A_602, %add3A_483, %dma_wait3A_606] : memref<2x32768x128xf32, #tpu.memory_space<hbm>> -> memref<1x128x128xf32, #tpu.memory_space<hbm>>
    %dma_wait3A_608 = tpu.memref_squeeze %dma_wait3A_607 : memref<1x128x128xf32, #tpu.memory_space<hbm>> -> memref<128x128xf32, #tpu.memory_space<hbm>>
    tpu.wait_dma2 semaphore(%arg24 : memref<!tpu.dma_semaphore, #tpu.memory_space<semaphore_mem>>) src(%arg12 : memref<128x128xf32, #tpu.memory_space<vmem>>) dst(%dma_wait3A_608 : memref<128x128xf32, #tpu.memory_space<hbm>>)
    return
  }
}

</mosaic_0001>

<sc_bundles>
// kernel: kernel.3.cloned.1.call-start
scs
__scs_entry_jumppad:
0x0: {  	(pc) =	sbr.rel $0x88, $3  }
0x1: {  	(tag) =	ssettag $0x0;
	lr =	simm.s32 $0x1  }
0x2: {  	[smem:$0x3F9E] =	sst lr;
	_ =	strace $0xD0000000  }
0x3: {  	_ = 	snop  }
0x4: {  	_ = 	snop  }
0x5: {  	_ = 	snop  }
0x6: {  	_ = 	snop  }
0x7: {  	_ = 	snop  }
__scs_overlays_trampoline_lowered:
0x8: {  	[smem:$0x3FAD] =	sst s0  }
0x9: {  	[smem:$0x3FAE] =	sst s1  }
0xa: {  	[smem:$0x3FAF] =	sst s2  }
0xb: {  	[smem:$0x3FB0] =	sst s3  }
0xc: {  	[smem:$0x3FB1] =	sst s4  }
0xd: {  	[smem:$0x3FB2] =	sst s5  }
0xe: {  	[smem:$0x3FB3] =	sst s6  }
0xf: {  	[smem:$0x3FB4] =	sst s7  }
0x10: {  	[smem:$0x3FB5] =	sst s8  }
0x11: {  	[smem:$0x3FB6] =	sst s9;
	s0 =	simm.s32 @!p0 $0x0  }
0x12: {  	s1 =	sld [smem:$0x3F9C];
	s0 =	simm.s32 @p0 $0x1  }
0x13: {  	[smem:$0x3FB7] =	sst s0;
	s0 =	simm.s32 @!p1 $0x0  }
0x14: {  	s2 =	sld [smem:$0x3F9B];
	s0 =	simm.s32 @p1 $0x1  }
0x15: {  	[smem:$0x3FB8] =	sst s0;
	s0 =	simm.s32 @!p2 $0x0  }
0x16: {  	s3 =	sld [smem:$0x3FDB];
	s0 =	simm.s32 @p2 $0x1  }
0x17: {  	s4 =	simm.s32 $0x1BF5;
	[smem:$0x3FBA] =	sst s0  }
0x18: {  	s0 =	sld [smem:$0x3F9D];
	_ =	swait.ge [sflag:s4], $0x0  }
0x19: {  	s7 =	sld [smem:$0x3F9E]  }
0x1a: {  	s8 =	sadd.s32 $0xFFFFE003, lr  }
0x1b: {  	s9 =	sadd.s32 $0xFFFFFEF7, lr;
	s5 =	simm.s32 $0xFFFFFFFF;
	p2 =	slt.u32 s8, $0xFFFFF086  }
0x1c: {  	p1 =	slt.u32 s9, $0xF7A;
	s5 =	simm.s32 @!p2 $0x0  }
0x1d: {  	s5 =	simm.s32 @p1 $0x1;
	p0 =	seq.s32 s7, s2  }
0x1e: {  	s7 =	smul.u32 @!p0 $0xF7A, s2;
	p2 =	seq.s32 @!p0 s5, $0x0  }
0x1f: {  	s9 =	smul.u32 $0xF7A, s1;
	s8 =	simm.s32 @!p0 $0x1BF5;
	p2 =	por !p2, p0  }
0x20: {  	[sflag:s8] =	ssyncset.s32 @!p0 $0xFFFFF086;
	s6 =	sadd.s32 @!p0 s3, s7;
	s7 =	simm.s32 @!p0 $0x108  }
0x21: {  	s3 =	sadd.s32 s3, s9;
	s6 =	sadd.s32 @!p0 $0x88, s6;
	s7 =	simm.s32 @p2 $0x1082  }
0x22: {  	[simem:s7], [sflag:s8] =	dma.local @!p0 [hbm:s6], $0xF7A  }
0x23: {  	s9 =	sor.u32 $0xD0000000, s2;
	s6 =	simm.s32 $0x108;
	_ =	swait.ge @!p0 [sflag:s8], $0x0  }
0x24: {  	s3 =	sadd.s32 $0x88, s3;
	s6 =	simm.s32 @!p1 $0x1082;
	[sflag:s4] =	ssyncset.s32 $0xFFFFF086  }
0x25: {  	[simem:s6], [sflag:s4] =	dma.local [hbm:s3], $0xF7A  }
0x26: {  	[smem:$0x3F9E] =	sst s1;
	(tag) =	ssettag s2;
	_ =	strace s9  }
0x27: {  	s1 =	sld [smem:$0x3FAE]  }
0x28: {  	s2 =	sld [smem:$0x3FAF]  }
0x29: {  	s4 =	sld [smem:$0x3FB1]  }
0x2a: {  	p0 =	seq.s32 s5, $0x0;
	s5 =	sld [smem:$0x3FB2]  }
0x2b: {  	s6 =	sld [smem:$0x3FB3]  }
0x2c: {  	s7 =	sld [smem:$0x3FB4]  }
0x2d: {  	s3 =	simm.s32 $0x108;
	s8 =	sld [smem:$0x3FB5]  }
0x2e: {  	s3 =	simm.s32 @!p0 $0x1082;
	s9 =	sld [smem:$0x3FB6]  }
0x2f: {  	lr =	sadd.s32 s0, s3;
	s0 =	sld [smem:$0x3FAD]  }
0x30: {  	s3 =	sld [smem:$0x3FB0]  }
0x31: {  	[smem:$0x3FB9] =	sst s10  }
0x32: {  	s10 =	sld [smem:$0x3FB7];
	_ =	sdelay $0x3  }
0x33: {  	p0 =	seq.s32 s10, $0x1;
	s10 =	sld [smem:$0x3FB9];
	_ =	sdelay $0x3  }
0x34: {  	[smem:$0x3FB9] =	sst s10  }
0x35: {  	s10 =	sld [smem:$0x3FB8];
	_ =	sdelay $0x3  }
0x36: {  	p1 =	seq.s32 s10, $0x1;
	s10 =	sld [smem:$0x3FB9];
	_ =	sdelay $0x3  }
0x37: {  	[smem:$0x3FB9] =	sst s10  }
0x38: {  	s10 =	sld [smem:$0x3FBA]  }
0x39: {  	_ = 	snop;
	(pc) =	sbr.ind lr, $3  }
0x3a: {  	_ = 	snop  }
0x3b: {  	_ = 	snop  }
0x3c: {  	p2 =	seq.s32 s10, $0x1;
	s10 =	sld [smem:$0x3FB9]  }
0x3d: {  	_ =	shalt  }
0x3e: {  	_ =	shalt  }
0x3f: {  	_ =	shalt  }
0x40: {  	_ =	shalt  }
0x41: {  	_ =	shalt  }
0x42: {  	_ =	shalt  }
0x43: {  	_ =	shalt  }
0x44: {  	_ =	shalt  }
0x45: {  	_ =	shalt  }
0x46: {  	_ =	shalt  }
0x47: {  	_ =	shalt  }
0x48: {  	_ =	shalt  }
0x49: {  	_ =	shalt  }
0x4a: {  	_ =	shalt  }
0x4b: {  	_ =	shalt  }
0x4c: {  	_ =	shalt  }
0x4d: {  	_ =	shalt  }
0x4e: {  	_ =	shalt  }
0x4f: {  	_ =	shalt  }
0x50: {  	_ =	shalt  }
0x51: {  	_ =	shalt  }
0x52: {  	_ =	shalt  }
0x53: {  	_ =	shalt  }
0x54: {  	_ =	shalt  }
0x55: {  	_ =	shalt  }
0x56: {  	_ =	shalt  }
0x57: {  	_ =	shalt  }
0x58: {  	_ =	shalt  }
0x59: {  	_ =	shalt  }
0x5a: {  	_ =	shalt  }
0x5b: {  	_ =	shalt  }
0x5c: {  	_ =	shalt  }
0x5d: {  	_ =	shalt  }
0x5e: {  	_ =	shalt  }
0x5f: {  	_ =	shalt  }
0x60: {  	_ =	shalt  }
0x61: {  	_ =	shalt  }
0x62: {  	_ =	shalt  }
0x63: {  	_ =	shalt  }
0x64: {  	_ =	shalt  }
0x65: {  	_ =	shalt  }
0x66: {  	_ =	shalt  }
0x67: {  	_ =	shalt  }
0x68: {  	_ =	shalt  }
0x69: {  	_ =	shalt  }
0x6a: {  	_ =	shalt  }
0x6b: {  	_ =	shalt  }
0x6c: {  	_ =	shalt  }
0x6d: {  	_ =	shalt  }
0x6e: {  	_ =	shalt  }
0x6f: {  	_ =	shalt  }
0x70: {  	_ =	shalt  }
0x71: {  	_ =	shalt  }
0x72: {  	_ =	shalt  }
0x73: {  	_ =	shalt  }
0x74: {  	_ =	shalt  }
0x75: {  	_ =	shalt  }
0x76: {  	_ =	shalt  }
0x77: {  	_ =	shalt  }
0x78: {  	_ =	shalt  }
0x79: {  	_ =	shalt  }
0x7a: {  	_ =	shalt  }
0x7b: {  	_ =	shalt  }
0x7c: {  	_ =	shalt  }
0x7d: {  	_ =	shalt  }
0x7e: {  	_ =	shalt  }
0x7f: {  	_ =	shalt  }
0x80: {  	_ =	shalt  }
0x81: {  	_ =	shalt  }
0x82: {  	_ =	shalt  }
0x83: {  	_ =	shalt  }
0x84: {  	_ =	shalt  }
0x85: {  	_ =	shalt  }
0x86: {  	_ =	shalt  }
0x87: {  	_ =	shalt  }
.Lfunc_end0:
.L_simem_size_0:
called_computation_lowered:
.L_overlay_start_0:
0x88: {  	s2 =	sld [smem:$0x3FD9]  }
0x89: {  	s3 =	sld [smem:$0x3FFE];
	_ =	sdelay $0x1  }
0x8a: {  	s1 =	srdreg.scid  }
0x8b: {  	s0 =	sand.u32 $0x1, s1  }
0x8c: {  	s17 =	sshll.u32 s0, $0xA;
	s2 =	sadd.s32 s3, s2  }
0x8d: {  	s2 =	sadd.s32 s2, s17  }
0x8e: {  	[smem:$0x3FC5] =	sst s2  }
0x8f: {  	_ = 	snop  }
0x90: {  	s2 =	sld [smem:$0x3FC9]  }
0x91: {  	s18 =	sld [smem:$0x3FC8]  }
0x92: {  	s4 =	sld [smem:$0x3FD0];
	(tm) =	ssettm $0x1  }
0x93: {  	s5 =	sld [smem:$0x3FFB];
	_ =	sdelay $0x3  }
0x94: {  	_ =	strace s5  }
0x95: {  	s5 =	sld [smem:$0x3FFC];
	_ =	sdelay $0x3  }
0x96: {  	_ =	strace s5  }
0x97: {  	s5 =	sld [smem:$0x3FFD];
	_ =	sdelay $0x3  }
0x98: {  	_ =	strace s5  }
0x99: {  	_ =	strace $0x8FFFFFFF  }
0x9a: {  	s19 =	sld [smem:$0x3FDB];
	_ =	sdelay $0x1  }
0x9b: {  	s6 =	simm.s32 $_scs_section_size  }
0x9c: {  	s7 =	simm.s32 $_size__tile_overlayer_lowered;
	s8 =	simm.s32 $_tile_overlayer_lowered  }
0x9d: {  	s22 =	simm.s32 $0x1BFF;
	s21 =	sshll.u32 s8, $0x1;
	s5 =	sadd.s32 s6, s19  }
0x9e: {  	s9 =	simm.s32 $0x0;
	s20 =	sshll.u32 s7, $0x1;
	s7 =	sadd.s32 s21, s5  }
0x9f: {  	[timem:s9], [sflag:s22] =	dma.local [hbm:s7], s20  }
0xa0: {  	_ =	swait.ge [sflag:s22], s20  }
0xa1: {  	s6 =	ssub.s32 $0x0, s20;
	[sflag:s22] =	ssyncset.done $0x0  }
0xa2: {  	[sflag:s22] =	ssyncadd.s32 s6;
	_ =	sdelay $0x1  }
0xa3: {  	s23 =	simm.s32 $0x1B8B  }
0xa4: {  	_ =	swait.ge [sflag:s23], $0x1  }
0xa5: {  	[sflag:s23] =	ssyncset.done $0x0  }
0xa6: {  	s25 =	simm.s32 $0x1B8E;
	s24 =	sld [smem:$0x3FFE];
	[sflag:s23] =	ssyncadd.s32 $0xFFFFFFFF  }
0xa7: {  	s26 =	simm.s32 $execute0_lowered;
	[smem:$0x3FD2] =	sst s25  }
0xa8: {  	s7 =	sshll.u32 s26, $0x1;
	_ =	strace $0x80000046;
	[dreg:$0x1] =	wrdreg $0xFFFFFFFF  }
0xa9: {  	s28 =	simm.s32 $_size_execute0_lowered;
	s5 =	sadd.s32 s5, s7;
	[dreg:$0x0] =	wrdreg $0x0  }
0xaa: {  	s7 =	sshll.u32 s28, $0x1;
	[dreg:$0x2] =	wrdreg s5  }
0xab: {  	[dreg:$0x3] =	wrdreg s7  }
0xac: {  	[dreg:$0x4] =	wrdreg $0xC0  }
0xad: {  	_ =	task [dreg:s9], $0x5FFFF  }
0xae: {  	[dreg:$0x1] =	wrdreg $0xFFFFFFFF  }
0xaf: {  	[dreg:$0x0] =	wrdreg $0x60  }
0xb0: {  	[dreg:$0x2] =	wrdreg s2  }
0xb1: {  	[dreg:$0x3] =	wrdreg s18  }
0xb2: {  	[dreg:$0x4] =	wrdreg s24  }
0xb3: {  	[dreg:$0x5] =	wrdreg s4  }
0xb4: {  	[dreg:$0x6] =	wrdreg $0x9  }
0xb5: {  	_ =	task.clear_ibuf [dreg:s9], $0x7FFFF;
	_ =	strace $0x90000046  }
0xb6: {  	s29 =	simm.s32 $0x9;
	_ =	strace $0x80000048  }
0xb7: {  	_ =	swait.ge [sflag:s29], $0x1  }
0xb8: {  	[sflag:s29] =	ssyncadd.s32 $0xFFFFFFFF  }
0xb9: {  	_ =	strace $0x90000048  }
0xba: {  	_ =	sfence  }
0xbb: {  	s30 =	sld [smem:$0x0];
	_ =	sdelay $0x2  }
0xbc: {  	s31 =	sshll.u32 s1, $0xD;
	s1 =	sshrl.u32 s1, $0x2  }
0xbd: {  	s3 =	sand.u32 $0x4000, s31;
	s1 =	sadd.s32 s1, s30  }
0xbe: {  	s0 =	sor.u32 s3, s0;
	s1 =	sshll.u32 s1, $0x11  }
0xbf: {  	s0 =	sor.u32 s1, s0  }
0xc0: {  	s0 =	sadd.s32 $0x8F2B, s0  }
0xc1: {  	[sflag:s0] =	ssyncadd.remote.s32 $0x1  }
0xc2: {  	_ =	sfence.sel $0xFFFF  }
0xc3: {  	[dreg:$0x0] =	wrdreg $0xFFFFFFFF;
	(pc) =	sbr.abs _section_cstart, $3  }
0xc4: {  	[dreg:$0x1] =	wrdreg $0xFFFFFFFF  }
0xc5: {  	_ =	task.clear_ibuf [dreg:s9], $0x2FFFF;
	_ =	strace $0x9FFFFFFF  }
0xc6: {  	(tm) =	ssettm $0x7FFFFFFF  }
0xc7: {  	_ =	shalt  }
tec
execute0_lowered:
.L_overlay_start_1:
0x0: {  	(tag) =	ssettag $0x1  }
0x1: {  	s4 =	rddreg [dreg:$0x0]  }
0x2: {  	s3 =	rddreg [dreg:$0x1]  }
0x3: {  	s6 =	stileid.u32;
	s1 =	rddreg [dreg:$0x2]  }
0x4: {  	s0 =	srdreg.scid;
	s5 =	rddreg [dreg:$0x3];
	s31 =	simm.s32 $0xD  }
0x5: {  	s28 =	simm.s32 $0x100;
	s0 =	sand.u32 $0x1, s0;
	s2 =	sshll.u32 s6, $0x1  }
0x6: {  	s30 =	simm.s32 $0x200;
	s6 =	sshll.u32 s6, $0x8;
	s7 =	sor.u32 s0, s2  }
0x7: {  	s6 =	sand.u32 $0xC00, s6;
	s2 =	simm.s32 $0x0;
	s10 =	sshll.u32 s7, $0xE  }
0x8: {  	s1 =	sadd.s32 s6, s1;
	[smem:$0x7FF] =	sst s2;
	s6 =	sadd.s32 s5, s10  }
0x9: {  	_ =	strace $0x80000047;
	s11 =	sadd.s32 $0x80000, s6;
	[dreg:$0x15] =	wrdreg s6  }
0xa: {  	p0 =	por $0x0, $0x0;
	s12 =	sadd.s32 $0x800, s6;
	[dreg:$0x6] =	wrdreg s11  }
0xb: {  	s29 =	simm.s32 $0x280;
	s13 =	sadd.s32 $0x80800, s6;
	[dreg:$0x7] =	wrdreg s12  }
0xc: {  	s0 =	ssub.s32 $0x2, s0;
	s14 =	sadd.s32 $0x1000, s6;
	[dreg:$0x8] =	wrdreg s13  }
0xd: {  	s8 =	sshll.u32 s7, $0x7;
	s15 =	sadd.s32 $0x81000, s6;
	[dreg:$0x9] =	wrdreg s14  }
0xe: {  	s24 =	sshrl.u32 s0, $0x1;
	s16 =	sadd.s32 $0x1800, s6;
	[dreg:$0xa] =	wrdreg s15  }
0xf: {  	s7 =	simm.s32 $0xA;
	s17 =	sadd.s32 $0x81800, s6;
	[dreg:$0xb] =	wrdreg s16  }
0x10: {  	s9 =	sand.u32 $0x380, s8;
	s18 =	sadd.s32 $0x2000, s6;
	[dreg:$0xc] =	wrdreg s17  }
0x11: {  	s0 =	ssub.s32 s0, s24;
	s19 =	sadd.s32 $0x82000, s6;
	[dreg:$0xd] =	wrdreg s18  }
0x12: {  	s5 =	simm.s32 $0xC400;
	s20 =	sadd.s32 $0x2800, s6;
	[dreg:$0xe] =	wrdreg s19  }
0x13: {  	s8 =	simm.s32 $0x7;
	s21 =	sadd.s32 $0x82800, s6;
	[dreg:$0xf] =	wrdreg s20  }
0x14: {  	s10 =	simm.s32 $0xB;
	s22 =	sadd.s32 $0x3000, s6;
	[dreg:$0x10] =	wrdreg s21  }
0x15: {  	s1 =	sadd.s32 s9, s1;
	s23 =	sadd.s32 $0x83000, s6;
	[dreg:$0x11] =	wrdreg s22  }
0x16: {  	s25 =	sadd.s32 $0x3800, s6;
	s26 =	sadd.s32 $0x83800, s6;
	[dreg:$0x12] =	wrdreg s23  }
0x17: {  	s0 =	smax.u32 s0, $0x1;
	s9 =	simm.s32 $0x8;
	[dreg:$0x13] =	wrdreg s25  }
0x18: {  	s6 =	simm.s32 $0x9;
	s1 =	sadd.s32 $0x400, s1;
	[dreg:$0x14] =	wrdreg s26  }
0x19: {  	s20 =	simm.s32 $0x80;
	s14 =	simm.s32 $0x400;
	s13 =	simm.s32 $0x4400  }
0x1a: {  	s12 =	simm.s32 $0x8400;
	s21 =	simm.s32 $0x10400;
	p1 =	sne.s32 s0, $0x1  }
.Ltmp0:
0x1b: {  	s19 =	simm.s32 $0x14400;
	s18 =	simm.s32 $0x1;
	(pc) =	sbr.rel @!p1 .LBB2_1-.Ltmp0, $4  }
0x1c: {  	s17 =	simm.s32 $0x2;
	s16 =	simm.s32 $0x3;
	s15 =	simm.s32 $0x4  }
0x1d: {  	s0 =	sadd.s32 $0xFFFFFFFF, s0;
	s23 =	simm.s32 $0x5;
	s22 =	simm.s32 $0x6  }
0x1e: {  	s11 =	simm.s32 $0xC;
	s26 =	simm.s32 $0x300;
	[dreg:$0x5] =	wrdreg s1  }
0x1f: {  	s25 =	simm.s32 $0x380;
	s1 =	simm.s32 $0x180;
	s24 =	rddreg [dreg:$0x5]  }
0x20: {  	[tilespmem:s2], [sflag:$0xD] =	stream.linear.gather [hbm4b:s24+s2], $0x400, $0x38;
	[tilespmem:$0x18400] =	vst v63  }
0x21: {  	_ =	swait.ge [sflag:s31], $0x400  }
0x22: {  	[sflag:s31] =	ssyncset.done $0x0  }
0x23: {  	[sflag:s31] =	ssyncadd.s32 $0xFFFFFC00  }
0x24: {  	[tilespmem:s14], [sflag:$0x1] =	stream.indirect.gather [hbm4b:s4+s20], $0x80, s2, s20, $0xb8;
	[tilespmem:$0x18400] =	vst v63  }
0x25: {  	_ = 	snop  }
0x26: {  	[tilespmem:s13], [sflag:$0x2] =	stream.indirect.gather [hbm4b:s3+s20], $0x80, s2, s20, $0xb8;
	[tilespmem:$0x18400] =	vst v63  }
0x27: {  	_ = 	snop  }
0x28: {  	[tilespmem:s12], [sflag:$0x3] =	stream.indirect.gather [hbm4b:s4+s20], $0x80, s20, s20, $0xb8;
	[tilespmem:$0x18400] =	vst v63  }
0x29: {  	_ = 	snop  }
0x2a: {  	[tilespmem:s5], [sflag:$0x4] =	stream.indirect.gather [hbm4b:s3+s20], $0x80, s20, s20, $0xb8;
	[tilespmem:$0x18400] =	vst v63  }
0x2b: {  	_ = 	snop  }
0x2c: {  	[tilespmem:s21], [sflag:$0x5] =	stream.indirect.gather [hbm4b:s4+s20], $0x80, s28, s20, $0xb8;
	[tilespmem:$0x18400] =	vst v63  }
0x2d: {  	_ = 	snop  }
0x2e: {  	[tilespmem:s19], [sflag:$0x6] =	stream.indirect.gather [hbm4b:s3+s20], $0x80, s28, s20, $0xb8;
	[tilespmem:$0x18400] =	vst v63  }
0x2f: {  	_ =	swait.ge [sflag:s18], $0x4000  }
0x30: {  	[sflag:s18] =	ssyncset.done $0x0  }
0x31: {  	s24 =	rddreg [dreg:$0x15];
	[sflag:s18] =	ssyncadd.s32 $0xFFFFC000  }
0x32: {  	[hbm4b:s24+s2] =	stream.linear.scatter [tilespmem:s14], [sflag:$0x7], $0x4000, $0x38;
	[tilespmem:$0x18400] =	vst v63  }
0x33: {  	_ =	swait.ge [sflag:s8], $0x4000  }
0x34: {  	[sflag:s8] =	ssyncset.done $0x0  }
0x35: {  	[sflag:s8] =	ssyncadd.s32 $0xFFFFC000  }
0x36: {  	[tilespmem:s14], [sflag:$0x1] =	stream.indirect.gather [hbm4b:s4+s20], $0x80, s1, s20, $0xb8;
	[tilespmem:$0x18400] =	vst v63  }
0x37: {  	_ =	swait.ge [sflag:s17], $0x4000  }
0x38: {  	[sflag:s17] =	ssyncset.done $0x0  }
0x39: {  	s24 =	rddreg [dreg:$0x6];
	[sflag:s17] =	ssyncadd.s32 $0xFFFFC000  }
0x3a: {  	[hbm4b:s24+s2] =	stream.linear.scatter [tilespmem:s13], [sflag:$0x8], $0x4000, $0x38;
	[tilespmem:$0x18400] =	vst v63  }
0x3b: {  	_ =	swait.ge [sflag:s9], $0x4000  }
0x3c: {  	[sflag:s9] =	ssyncset.done $0x0  }
0x3d: {  	[sflag:s9] =	ssyncadd.s32 $0xFFFFC000  }
0x3e: {  	[tilespmem:s13], [sflag:$0x2] =	stream.indirect.gather [hbm4b:s3+s20], $0x80, s1, s20, $0xb8;
	[tilespmem:$0x18400] =	vst v63  }
0x3f: {  	_ =	swait.ge [sflag:s16], $0x4000  }
0x40: {  	[sflag:s16] =	ssyncset.done $0x0  }
0x41: {  	s24 =	rddreg [dreg:$0x7];
	[sflag:s16] =	ssyncadd.s32 $0xFFFFC000  }
0x42: {  	[hbm4b:s24+s2] =	stream.linear.scatter [tilespmem:s12], [sflag:$0x9], $0x4000, $0x38;
	[tilespmem:$0x18400] =	vst v63  }
0x43: {  	_ =	swait.ge [sflag:s6], $0x4000  }
0x44: {  	[sflag:s6] =	ssyncset.done $0x0  }
0x45: {  	[sflag:s6] =	ssyncadd.s32 $0xFFFFC000  }
0x46: {  	[tilespmem:s12], [sflag:$0x3] =	stream.indirect.gather [hbm4b:s4+s20], $0x80, s30, s20, $0xb8;
	[tilespmem:$0x18400] =	vst v63  }
0x47: {  	_ =	swait.ge [sflag:s15], $0x4000  }
0x48: {  	[sflag:s15] =	ssyncset.done $0x0  }
0x49: {  	s24 =	rddreg [dreg:$0x8];
	[sflag:s15] =	ssyncadd.s32 $0xFFFFC000  }
0x4a: {  	[hbm4b:s24+s2] =	stream.linear.scatter [tilespmem:s5], [sflag:$0xA], $0x4000, $0x38;
	[tilespmem:$0x18400] =	vst v63  }
0x4b: {  	_ =	swait.ge [sflag:s7], $0x4000  }
0x4c: {  	[sflag:s7] =	ssyncset.done $0x0  }
0x4d: {  	[sflag:s7] =	ssyncadd.s32 $0xFFFFC000  }
0x4e: {  	[tilespmem:s5], [sflag:$0x4] =	stream.indirect.gather [hbm4b:s3+s20], $0x80, s30, s20, $0xb8;
	[tilespmem:$0x18400] =	vst v63  }
0x4f: {  	_ =	swait.ge [sflag:s23], $0x4000  }
0x50: {  	[sflag:s23] =	ssyncset.done $0x0  }
0x51: {  	s24 =	rddreg [dreg:$0x9];
	[sflag:s23] =	ssyncadd.s32 $0xFFFFC000  }
0x52: {  	[hbm4b:s24+s2] =	stream.linear.scatter [tilespmem:s21], [sflag:$0xB], $0x4000, $0x38;
	[tilespmem:$0x18400] =	vst v63  }
0x53: {  	_ =	swait.ge [sflag:s10], $0x4000  }
0x54: {  	[sflag:s10] =	ssyncset.done $0x0  }
0x55: {  	[sflag:s10] =	ssyncadd.s32 $0xFFFFC000  }
0x56: {  	[tilespmem:s21], [sflag:$0x5] =	stream.indirect.gather [hbm4b:s4+s20], $0x80, s29, s20, $0xb8;
	[tilespmem:$0x18400] =	vst v63  }
0x57: {  	_ =	swait.ge [sflag:s22], $0x4000  }
0x58: {  	[sflag:s22] =	ssyncset.done $0x0  }
0x59: {  	s24 =	rddreg [dreg:$0xa];
	[sflag:s22] =	ssyncadd.s32 $0xFFFFC000  }
0x5a: {  	[hbm4b:s24+s2] =	stream.linear.scatter [tilespmem:s19], [sflag:$0xC], $0x4000, $0x38;
	[tilespmem:$0x18400] =	vst v63  }
0x5b: {  	_ =	swait.ge [sflag:s11], $0x4000  }
0x5c: {  	[sflag:s11] =	ssyncset.done $0x0  }
0x5d: {  	[sflag:s11] =	ssyncadd.s32 $0xFFFFC000  }
0x5e: {  	[tilespmem:s19], [sflag:$0x6] =	stream.indirect.gather [hbm4b:s3+s20], $0x80, s29, s20, $0xb8;
	[tilespmem:$0x18400] =	vst v63  }
0x5f: {  	_ =	swait.ge [sflag:s18], $0x4000  }
0x60: {  	[sflag:s18] =	ssyncset.done $0x0  }
0x61: {  	s24 =	rddreg [dreg:$0xb];
	[sflag:s18] =	ssyncadd.s32 $0xFFFFC000  }
0x62: {  	[hbm4b:s24+s2] =	stream.linear.scatter [tilespmem:s14], [sflag:$0x7], $0x4000, $0x38;
	[tilespmem:$0x18400] =	vst v63  }
0x63: {  	_ =	swait.ge [sflag:s8], $0x4000  }
0x64: {  	[sflag:s8] =	ssyncset.done $0x0  }
0x65: {  	[sflag:s8] =	ssyncadd.s32 $0xFFFFC000  }
0x66: {  	[tilespmem:s14], [sflag:$0x1] =	stream.indirect.gather [hbm4b:s4+s20], $0x80, s26, s20, $0xb8;
	[tilespmem:$0x18400] =	vst v63  }
0x67: {  	_ =	swait.ge [sflag:s17], $0x4000  }
0x68: {  	[sflag:s17] =	ssyncset.done $0x0  }
0x69: {  	s24 =	rddreg [dreg:$0xc];
	[sflag:s17] =	ssyncadd.s32 $0xFFFFC000  }
0x6a: {  	[hbm4b:s24+s2] =	stream.linear.scatter [tilespmem:s13], [sflag:$0x8], $0x4000, $0x38;
	[tilespmem:$0x18400] =	vst v63  }
0x6b: {  	_ =	swait.ge [sflag:s9], $0x4000  }
0x6c: {  	[sflag:s9] =	ssyncset.done $0x0  }
0x6d: {  	[sflag:s9] =	ssyncadd.s32 $0xFFFFC000  }
0x6e: {  	[tilespmem:s13], [sflag:$0x2] =	stream.indirect.gather [hbm4b:s3+s20], $0x80, s26, s20, $0xb8;
	[tilespmem:$0x18400] =	vst v63  }
0x6f: {  	_ =	swait.ge [sflag:s16], $0x4000  }
0x70: {  	[sflag:s16] =	ssyncset.done $0x0  }
0x71: {  	s24 =	rddreg [dreg:$0xd];
	[sflag:s16] =	ssyncadd.s32 $0xFFFFC000  }
0x72: {  	[hbm4b:s24+s2] =	stream.linear.scatter [tilespmem:s12], [sflag:$0x9], $0x4000, $0x38;
	[tilespmem:$0x18400] =	vst v63  }
0x73: {  	_ =	swait.ge [sflag:s6], $0x4000  }
0x74: {  	[sflag:s6] =	ssyncset.done $0x0  }
0x75: {  	[sflag:s6] =	ssyncadd.s32 $0xFFFFC000  }
0x76: {  	[tilespmem:s12], [sflag:$0x3] =	stream.indirect.gather [hbm4b:s4+s20], $0x80, s25, s20, $0xb8;
	[tilespmem:$0x18400] =	vst v63  }
0x77: {  	_ =	swait.ge [sflag:s15], $0x4000  }
0x78: {  	[sflag:s15] =	ssyncset.done $0x0  }
0x79: {  	s24 =	rddreg [dreg:$0xe];
	[sflag:s15] =	ssyncadd.s32 $0xFFFFC000  }
0x7a: {  	[hbm4b:s24+s2] =	stream.linear.scatter [tilespmem:s5], [sflag:$0xA], $0x4000, $0x38;
	[tilespmem:$0x18400] =	vst v63  }
0x7b: {  	_ =	swait.ge [sflag:s7], $0x4000  }
0x7c: {  	[sflag:s7] =	ssyncset.done $0x0  }
0x7d: {  	[sflag:s7] =	ssyncadd.s32 $0xFFFFC000  }
0x7e: {  	[tilespmem:s5], [sflag:$0x4] =	stream.indirect.gather [hbm4b:s3+s20], $0x80, s25, s20, $0xb8;
	[tilespmem:$0x18400] =	vst v63  }
0x7f: {  	_ =	swait.ge [sflag:s23], $0x4000  }
0x80: {  	[sflag:s23] =	ssyncset.done $0x0  }
0x81: {  	s24 =	rddreg [dreg:$0xf];
	[sflag:s23] =	ssyncadd.s32 $0xFFFFC000  }
0x82: {  	[hbm4b:s24+s2] =	stream.linear.scatter [tilespmem:s21], [sflag:$0xB], $0x4000, $0x38;
	[tilespmem:$0x18400] =	vst v63  }
0x83: {  	_ =	swait.ge [sflag:s22], $0x4000  }
0x84: {  	[sflag:s22] =	ssyncset.done $0x0  }
0x85: {  	s24 =	rddreg [dreg:$0x10];
	[sflag:s22] =	ssyncadd.s32 $0xFFFFC000  }
0x86: {  	[hbm4b:s24+s2] =	stream.linear.scatter [tilespmem:s19], [sflag:$0xC], $0x4000, $0x38;
	[tilespmem:$0x18400] =	vst v63  }
0x87: {  	_ =	swait.ge [sflag:s18], $0x4000  }
0x88: {  	[sflag:s18] =	ssyncset.done $0x0  }
0x89: {  	s24 =	rddreg [dreg:$0x11];
	[sflag:s18] =	ssyncadd.s32 $0xFFFFC000  }
0x8a: {  	[hbm4b:s24+s2] =	stream.linear.scatter [tilespmem:s14], [sflag:$0x7], $0x4000, $0x38;
	[tilespmem:$0x18400] =	vst v63  }
0x8b: {  	_ =	swait.ge [sflag:s17], $0x4000  }
0x8c: {  	[sflag:s17] =	ssyncset.done $0x0  }
0x8d: {  	s24 =	rddreg [dreg:$0x12];
	[sflag:s17] =	ssyncadd.s32 $0xFFFFC000  }
0x8e: {  	[hbm4b:s24+s2] =	stream.linear.scatter [tilespmem:s13], [sflag:$0x8], $0x4000, $0x38;
	[tilespmem:$0x18400] =	vst v63  }
0x8f: {  	_ =	swait.ge [sflag:s16], $0x4000  }
0x90: {  	[sflag:s16] =	ssyncset.done $0x0  }
0x91: {  	s24 =	rddreg [dreg:$0x13];
	[sflag:s16] =	ssyncadd.s32 $0xFFFFC000  }
0x92: {  	[hbm4b:s24+s2] =	stream.linear.scatter [tilespmem:s12], [sflag:$0x9], $0x4000, $0x38;
	[tilespmem:$0x18400] =	vst v63  }
0x93: {  	_ =	swait.ge [sflag:s15], $0x4000  }
0x94: {  	[sflag:s15] =	ssyncset.done $0x0  }
0x95: {  	s24 =	rddreg [dreg:$0x14];
	[sflag:s15] =	ssyncadd.s32 $0xFFFFC000  }
0x96: {  	[hbm4b:s24+s2] =	stream.linear.scatter [tilespmem:s5], [sflag:$0xA], $0x4000, $0x38;
	[tilespmem:$0x18400] =	vst v63  }
0x97: {  	_ =	swait.ge [sflag:s8], $0x4000  }
0x98: {  	[sflag:s8] =	ssyncset.done $0x0  }
0x99: {  	[sflag:s8] =	ssyncadd.s32 $0xFFFFC000  }
0x9a: {  	_ =	swait.ge [sflag:s9], $0x4000  }
0x9b: {  	[sflag:s9] =	ssyncset.done $0x0  }
0x9c: {  	[sflag:s9] =	ssyncadd.s32 $0xFFFFC000  }
0x9d: {  	_ =	swait.ge [sflag:s6], $0x4000  }
0x9e: {  	[sflag:s6] =	ssyncset.done $0x0  }
0x9f: {  	[sflag:s6] =	ssyncadd.s32 $0xFFFFC000  }
0xa0: {  	_ =	swait.ge [sflag:s7], $0x4000  }
0xa1: {  	[sflag:s7] =	ssyncset.done $0x0  }
0xa2: {  	p1 =	sne.s32 s0, $0x1;
	[sflag:s7] =	ssyncadd.s32 $0xFFFFC000  }
.Ltmp1:
0xa3: {  	_ =	swait.ge [sflag:s10], $0x4000;
	(pc) =	sbr.rel @!p1 .LBB2_3-.Ltmp1, $4  }
0xa4: {  	[sflag:s10] =	ssyncset.done $0x0  }
0xa5: {  	[sflag:s10] =	ssyncadd.s32 $0xFFFFC000  }
0xa6: {  	s0 =	sadd.s32 $0xFFFFFFFF, s0;
	_ =	swait.ge [sflag:s11], $0x4000  }
0xa7: {  	p0 =	por $0x1, $0x1;
	s24 =	rddreg [dreg:$0x5];
	[sflag:s11] =	ssyncset.done $0x0  }
.LBB2_4:
0xa8: {  	[sflag:s11] =	ssyncadd.s32 $0xFFFFC000  }
0xa9: {  	[tilespmem:s2], [sflag:$0xD] =	stream.linear.gather [hbm4b:s24+s2], $0x400, $0x38;
	[tilespmem:$0x18400] =	vst v63  }
0xaa: {  	_ =	swait.ge [sflag:s31], $0x400  }
0xab: {  	[sflag:s31] =	ssyncset.done $0x0  }
0xac: {  	[sflag:s31] =	ssyncadd.s32 $0xFFFFFC00  }
0xad: {  	[tilespmem:s14], [sflag:$0x1] =	stream.indirect.gather [hbm4b:s4+s20], $0x80, s2, s20, $0xb8;
	[tilespmem:$0x18400] =	vst v63  }
0xae: {  	_ = 	snop  }
0xaf: {  	[tilespmem:s13], [sflag:$0x2] =	stream.indirect.gather [hbm4b:s3+s20], $0x80, s2, s20, $0xb8;
	[tilespmem:$0x18400] =	vst v63  }
0xb0: {  	_ = 	snop  }
0xb1: {  	[tilespmem:s12], [sflag:$0x3] =	stream.indirect.gather [hbm4b:s4+s20], $0x80, s20, s20, $0xb8;
	[tilespmem:$0x18400] =	vst v63  }
0xb2: {  	_ = 	snop  }
0xb3: {  	[tilespmem:s5], [sflag:$0x4] =	stream.indirect.gather [hbm4b:s3+s20], $0x80, s20, s20, $0xb8;
	[tilespmem:$0x18400] =	vst v63  }
0xb4: {  	_ = 	snop  }
0xb5: {  	[tilespmem:s21], [sflag:$0x5] =	stream.indirect.gather [hbm4b:s4+s20], $0x80, s28, s20, $0xb8;
	[tilespmem:$0x18400] =	vst v63  }
0xb6: {  	_ = 	snop  }
0xb7: {  	[tilespmem:s19], [sflag:$0x6] =	stream.indirect.gather [hbm4b:s3+s20], $0x80, s28, s20, $0xb8;
	[tilespmem:$0x18400] =	vst v63  }
0xb8: {  	_ =	swait.ge [sflag:s18], $0x4000  }
0xb9: {  	[sflag:s18] =	ssyncset.done $0x0  }
0xba: {  	s24 =	rddreg [dreg:$0x15];
	[sflag:s18] =	ssyncadd.s32 $0xFFFFC000  }
0xbb: {  	[hbm4b:s24+s2] =	stream.linear.scatter [tilespmem:s14], [sflag:$0x7], $0x4000, $0x38;
	[tilespmem:$0x18400] =	vst v63  }
0xbc: {  	_ =	swait.ge [sflag:s8], $0x4000  }
0xbd: {  	[sflag:s8] =	ssyncset.done $0x0  }
0xbe: {  	[sflag:s8] =	ssyncadd.s32 $0xFFFFC000  }
0xbf: {  	[tilespmem:s14], [sflag:$0x1] =	stream.indirect.gather [hbm4b:s4+s20], $0x80, s1, s20, $0xb8;
	[tilespmem:$0x18400] =	vst v63  }
0xc0: {  	_ =	swait.ge [sflag:s17], $0x4000  }
0xc1: {  	[sflag:s17] =	ssyncset.done $0x0  }
0xc2: {  	s24 =	rddreg [dreg:$0x6];
	[sflag:s17] =	ssyncadd.s32 $0xFFFFC000  }
0xc3: {  	[hbm4b:s24+s2] =	stream.linear.scatter [tilespmem:s13], [sflag:$0x8], $0x4000, $0x38;
	[tilespmem:$0x18400] =	vst v63  }
0xc4: {  	_ =	swait.ge [sflag:s9], $0x4000  }
0xc5: {  	[sflag:s9] =	ssyncset.done $0x0  }
0xc6: {  	[sflag:s9] =	ssyncadd.s32 $0xFFFFC000  }
0xc7: {  	[tilespmem:s13], [sflag:$0x2] =	stream.indirect.gather [hbm4b:s3+s20], $0x80, s1, s20, $0xb8;
	[tilespmem:$0x18400] =	vst v63  }
0xc8: {  	_ =	swait.ge [sflag:s16], $0x4000  }
0xc9: {  	[sflag:s16] =	ssyncset.done $0x0  }
0xca: {  	s24 =	rddreg [dreg:$0x7];
	[sflag:s16] =	ssyncadd.s32 $0xFFFFC000  }
0xcb: {  	[hbm4b:s24+s2] =	stream.linear.scatter [tilespmem:s12], [sflag:$0x9], $0x4000, $0x38;
	[tilespmem:$0x18400] =	vst v63  }
0xcc: {  	_ =	swait.ge [sflag:s6], $0x4000  }
0xcd: {  	[sflag:s6] =	ssyncset.done $0x0  }
0xce: {  	[sflag:s6] =	ssyncadd.s32 $0xFFFFC000  }
0xcf: {  	[tilespmem:s12], [sflag:$0x3] =	stream.indirect.gather [hbm4b:s4+s20], $0x80, s30, s20, $0xb8;
	[tilespmem:$0x18400] =	vst v63  }
0xd0: {  	_ =	swait.ge [sflag:s15], $0x4000  }
0xd1: {  	[sflag:s15] =	ssyncset.done $0x0  }
0xd2: {  	s24 =	rddreg [dreg:$0x8];
	[sflag:s15] =	ssyncadd.s32 $0xFFFFC000  }
0xd3: {  	[hbm4b:s24+s2] =	stream.linear.scatter [tilespmem:s5], [sflag:$0xA], $0x4000, $0x38;
	[tilespmem:$0x18400] =	vst v63  }
0xd4: {  	_ =	swait.ge [sflag:s7], $0x4000  }
0xd5: {  	[sflag:s7] =	ssyncset.done $0x0  }
0xd6: {  	[sflag:s7] =	ssyncadd.s32 $0xFFFFC000  }
0xd7: {  	[tilespmem:s5], [sflag:$0x4] =	stream.indirect.gather [hbm4b:s3+s20], $0x80, s30, s20, $0xb8;
	[tilespmem:$0x18400] =	vst v63  }
0xd8: {  	_ =	swait.ge [sflag:s23], $0x4000  }
0xd9: {  	[sflag:s23] =	ssyncset.done $0x0  }
0xda: {  	s24 =	rddreg [dreg:$0x9];
	[sflag:s23] =	ssyncadd.s32 $0xFFFFC000  }
0xdb: {  	[hbm4b:s24+s2] =	stream.linear.scatter [tilespmem:s21], [sflag:$0xB], $0x4000, $0x38;
	[tilespmem:$0x18400] =	vst v63  }
0xdc: {  	_ =	swait.ge [sflag:s10], $0x4000  }
0xdd: {  	[sflag:s10] =	ssyncset.done $0x0  }
0xde: {  	[sflag:s10] =	ssyncadd.s32 $0xFFFFC000  }
0xdf: {  	[tilespmem:s21], [sflag:$0x5] =	stream.indirect.gather [hbm4b:s4+s20], $0x80, s29, s20, $0xb8;
	[tilespmem:$0x18400] =	vst v63  }
0xe0: {  	_ =	swait.ge [sflag:s22], $0x4000  }
0xe1: {  	[sflag:s22] =	ssyncset.done $0x0  }
0xe2: {  	s24 =	rddreg [dreg:$0xa];
	[sflag:s22] =	ssyncadd.s32 $0xFFFFC000  }
0xe3: {  	[hbm4b:s24+s2] =	stream.linear.scatter [tilespmem:s19], [sflag:$0xC], $0x4000, $0x38;
	[tilespmem:$0x18400] =	vst v63  }
0xe4: {  	_ =	swait.ge [sflag:s11], $0x4000  }
0xe5: {  	[sflag:s11] =	ssyncset.done $0x0  }
0xe6: {  	[sflag:s11] =	ssyncadd.s32 $0xFFFFC000  }
0xe7: {  	[tilespmem:s19], [sflag:$0x6] =	stream.indirect.gather [hbm4b:s3+s20], $0x80, s29, s20, $0xb8;
	[tilespmem:$0x18400] =	vst v63  }
0xe8: {  	_ =	swait.ge [sflag:s18], $0x4000  }
0xe9: {  	[sflag:s18] =	ssyncset.done $0x0  }
0xea: {  	s24 =	rddreg [dreg:$0xb];
	[sflag:s18] =	ssyncadd.s32 $0xFFFFC000  }
0xeb: {  	[hbm4b:s24+s2] =	stream.linear.scatter [tilespmem:s14], [sflag:$0x7], $0x4000, $0x38;
	[tilespmem:$0x18400] =	vst v63  }
0xec: {  	_ =	swait.ge [sflag:s8], $0x4000  }
0xed: {  	[sflag:s8] =	ssyncset.done $0x0  }
0xee: {  	[sflag:s8] =	ssyncadd.s32 $0xFFFFC000  }
0xef: {  	[tilespmem:s14], [sflag:$0x1] =	stream.indirect.gather [hbm4b:s4+s20], $0x80, s26, s20, $0xb8;
	[tilespmem:$0x18400] =	vst v63  }
0xf0: {  	_ =	swait.ge [sflag:s17], $0x4000  }
0xf1: {  	[sflag:s17] =	ssyncset.done $0x0  }
0xf2: {  	s24 =	rddreg [dreg:$0xc];
	[sflag:s17] =	ssyncadd.s32 $0xFFFFC000  }
0xf3: {  	[hbm4b:s24+s2] =	stream.linear.scatter [tilespmem:s13], [sflag:$0x8], $0x4000, $0x38;
	[tilespmem:$0x18400] =	vst v63  }
0xf4: {  	_ =	swait.ge [sflag:s9], $0x4000  }
0xf5: {  	[sflag:s9] =	ssyncset.done $0x0  }
0xf6: {  	[sflag:s9] =	ssyncadd.s32 $0xFFFFC000  }
0xf7: {  	[tilespmem:s13], [sflag:$0x2] =	stream.indirect.gather [hbm4b:s3+s20], $0x80, s26, s20, $0xb8;
	[tilespmem:$0x18400] =	vst v63  }
0xf8: {  	_ =	swait.ge [sflag:s16], $0x4000  }
0xf9: {  	[sflag:s16] =	ssyncset.done $0x0  }
0xfa: {  	s24 =	rddreg [dreg:$0xd];
	[sflag:s16] =	ssyncadd.s32 $0xFFFFC000  }
0xfb: {  	[hbm4b:s24+s2] =	stream.linear.scatter [tilespmem:s12], [sflag:$0x9], $0x4000, $0x38;
	[tilespmem:$0x18400] =	vst v63  }
0xfc: {  	_ =	swait.ge [sflag:s6], $0x4000  }
0xfd: {  	[sflag:s6] =	ssyncset.done $0x0  }
0xfe: {  	[sflag:s6] =	ssyncadd.s32 $0xFFFFC000  }
0xff: {  	[tilespmem:s12], [sflag:$0x3] =	stream.indirect.gather [hbm4b:s4+s20], $0x80, s25, s20, $0xb8;
	[tilespmem:$0x18400] =	vst v63  }
0x100: {  	_ =	swait.ge [sflag:s15], $0x4000  }
0x101: {  	[sflag:s15] =	ssyncset.done $0x0  }
0x102: {  	s24 =	rddreg [dreg:$0xe];
	[sflag:s15] =	ssyncadd.s32 $0xFFFFC000  }
0x103: {  	[hbm4b:s24+s2] =	stream.linear.scatter [tilespmem:s5], [sflag:$0xA], $0x4000, $0x38;
	[tilespmem:$0x18400] =	vst v63  }
0x104: {  	_ =	swait.ge [sflag:s7], $0x4000  }
0x105: {  	[sflag:s7] =	ssyncset.done $0x0  }
0x106: {  	[sflag:s7] =	ssyncadd.s32 $0xFFFFC000  }
0x107: {  	[tilespmem:s5], [sflag:$0x4] =	stream.indirect.gather [hbm4b:s3+s20], $0x80, s25, s20, $0xb8;
	[tilespmem:$0x18400] =	vst v63  }
0x108: {  	_ =	swait.ge [sflag:s23], $0x4000  }
0x109: {  	[sflag:s23] =	ssyncset.done $0x0  }
0x10a: {  	s24 =	rddreg [dreg:$0xf];
	[sflag:s23] =	ssyncadd.s32 $0xFFFFC000  }
0x10b: {  	[hbm4b:s24+s2] =	stream.linear.scatter [tilespmem:s21], [sflag:$0xB], $0x4000, $0x38;
	[tilespmem:$0x18400] =	vst v63  }
0x10c: {  	_ =	swait.ge [sflag:s22], $0x4000  }
0x10d: {  	[sflag:s22] =	ssyncset.done $0x0  }
0x10e: {  	s24 =	rddreg [dreg:$0x10];
	[sflag:s22] =	ssyncadd.s32 $0xFFFFC000  }
0x10f: {  	[hbm4b:s24+s2] =	stream.linear.scatter [tilespmem:s19], [sflag:$0xC], $0x4000, $0x38;
	[tilespmem:$0x18400] =	vst v63  }
0x110: {  	_ =	swait.ge [sflag:s18], $0x4000  }
0x111: {  	[sflag:s18] =	ssyncset.done $0x0  }
0x112: {  	s24 =	rddreg [dreg:$0x11];
	[sflag:s18] =	ssyncadd.s32 $0xFFFFC000  }
0x113: {  	[hbm4b:s24+s2] =	stream.linear.scatter [tilespmem:s14], [sflag:$0x7], $0x4000, $0x38;
	[tilespmem:$0x18400] =	vst v63  }
0x114: {  	_ =	swait.ge [sflag:s17], $0x4000  }
0x115: {  	[sflag:s17] =	ssyncset.done $0x0  }
0x116: {  	s24 =	rddreg [dreg:$0x12];
	[sflag:s17] =	ssyncadd.s32 $0xFFFFC000  }
0x117: {  	[hbm4b:s24+s2] =	stream.linear.scatter [tilespmem:s13], [sflag:$0x8], $0x4000, $0x38;
	[tilespmem:$0x18400] =	vst v63  }
0x118: {  	_ =	swait.ge [sflag:s16], $0x4000  }
0x119: {  	[sflag:s16] =	ssyncset.done $0x0  }
0x11a: {  	s24 =	rddreg [dreg:$0x13];
	[sflag:s16] =	ssyncadd.s32 $0xFFFFC000  }
0x11b: {  	[hbm4b:s24+s2] =	stream.linear.scatter [tilespmem:s12], [sflag:$0x9], $0x4000, $0x38;
	[tilespmem:$0x18400] =	vst v63  }
0x11c: {  	_ =	swait.ge [sflag:s15], $0x4000  }
0x11d: {  	[sflag:s15] =	ssyncset.done $0x0  }
0x11e: {  	s24 =	rddreg [dreg:$0x14];
	[sflag:s15] =	ssyncadd.s32 $0xFFFFC000  }
0x11f: {  	[hbm4b:s24+s2] =	stream.linear.scatter [tilespmem:s5], [sflag:$0xA], $0x4000, $0x38;
	[tilespmem:$0x18400] =	vst v63  }
0x120: {  	_ =	swait.ge [sflag:s8], $0x4000  }
0x121: {  	[sflag:s8] =	ssyncset.done $0x0  }
0x122: {  	[sflag:s8] =	ssyncadd.s32 $0xFFFFC000  }
0x123: {  	_ =	swait.ge [sflag:s9], $0x4000  }
0x124: {  	[sflag:s9] =	ssyncset.done $0x0  }
0x125: {  	[sflag:s9] =	ssyncadd.s32 $0xFFFFC000  }
0x126: {  	_ =	swait.ge [sflag:s6], $0x4000  }
0x127: {  	[sflag:s6] =	ssyncset.done $0x0  }
0x128: {  	[sflag:s6] =	ssyncadd.s32 $0xFFFFC000  }
0x129: {  	_ =	swait.ge [sflag:s7], $0x4000  }
0x12a: {  	[sflag:s7] =	ssyncset.done $0x0  }
0x12b: {  	p1 =	sne.s32 s0, $0x1;
	[sflag:s7] =	ssyncadd.s32 $0xFFFFC000  }
.Ltmp2:
0x12c: {  	_ =	swait.ge [sflag:s10], $0x4000;
	(pc) =	sbr.rel @p1 .LBB2_4-.Ltmp2, $4  }
0x12d: {  	[sflag:s10] =	ssyncset.done $0x0  }
0x12e: {  	[sflag:s10] =	ssyncadd.s32 $0xFFFFC000  }
0x12f: {  	_ =	swait.ge [sflag:s11], $0x4000  }
0x130: {  	s0 =	sadd.s32 $0xFFFFFFFF, s0;
	s24 =	rddreg [dreg:$0x5];
	[sflag:s11] =	ssyncset.done $0x0  }
0x131: {  	s0 =	rddreg [dreg:$0x15]  }
.LBB2_6:
0x132: {  	[sflag:s11] =	ssyncadd.s32 @p0 $0xFFFFC000  }
0x133: {  	[tilespmem:s2], [sflag:$0xD] =	stream.linear.gather [hbm4b:s24+s2], $0x400, $0x38;
	[tilespmem:$0x18400] =	vst v63  }
0x134: {  	_ =	swait.ge [sflag:s31], $0x400  }
0x135: {  	[sflag:s31] =	ssyncset.done $0x0  }
0x136: {  	[sflag:s31] =	ssyncadd.s32 $0xFFFFFC00  }
0x137: {  	[tilespmem:s14], [sflag:$0x1] =	stream.indirect.gather [hbm4b:s4+s20], $0x80, s2, s20, $0xb8;
	[tilespmem:$0x18400] =	vst v63  }
0x138: {  	_ = 	snop  }
0x139: {  	[tilespmem:s13], [sflag:$0x2] =	stream.indirect.gather [hbm4b:s3+s20], $0x80, s2, s20, $0xb8;
	[tilespmem:$0x18400] =	vst v63  }
0x13a: {  	_ = 	snop  }
0x13b: {  	[tilespmem:s12], [sflag:$0x3] =	stream.indirect.gather [hbm4b:s4+s20], $0x80, s20, s20, $0xb8;
	[tilespmem:$0x18400] =	vst v63  }
0x13c: {  	_ = 	snop  }
0x13d: {  	[tilespmem:s5], [sflag:$0x4] =	stream.indirect.gather [hbm4b:s3+s20], $0x80, s20, s20, $0xb8;
	[tilespmem:$0x18400] =	vst v63  }
0x13e: {  	s1 =	simm.s32 $0x100  }
0x13f: {  	[tilespmem:s21], [sflag:$0x5] =	stream.indirect.gather [hbm4b:s4+s20], $0x80, s1, s20, $0xb8;
	[tilespmem:$0x18400] =	vst v63  }
0x140: {  	_ = 	snop  }
0x141: {  	[tilespmem:s19], [sflag:$0x6] =	stream.indirect.gather [hbm4b:s3+s20], $0x80, s1, s20, $0xb8;
	[tilespmem:$0x18400] =	vst v63  }
0x142: {  	_ =	swait.ge [sflag:s18], $0x4000  }
0x143: {  	[sflag:s18] =	ssyncset.done $0x0  }
0x144: {  	[sflag:s18] =	ssyncadd.s32 $0xFFFFC000  }
0x145: {  	[hbm4b:s0+s2] =	stream.linear.scatter [tilespmem:s14], [sflag:$0x7], $0x4000, $0x38;
	[tilespmem:$0x18400] =	vst v63  }
0x146: {  	_ =	swait.ge [sflag:s8], $0x4000  }
0x147: {  	[sflag:s8] =	ssyncset.done $0x0  }
0x148: {  	s26 =	simm.s32 $0x180;
	[sflag:s8] =	ssyncadd.s32 $0xFFFFC000  }
0x149: {  	[tilespmem:s14], [sflag:$0x1] =	stream.indirect.gather [hbm4b:s4+s20], $0x80, s26, s20, $0xb8;
	[tilespmem:$0x18400] =	vst v63  }
0x14a: {  	_ =	swait.ge [sflag:s17], $0x4000  }
0x14b: {  	[sflag:s17] =	ssyncset.done $0x0  }
0x14c: {  	s28 =	rddreg [dreg:$0x6];
	[sflag:s17] =	ssyncadd.s32 $0xFFFFC000  }
0x14d: {  	[hbm4b:s28+s2] =	stream.linear.scatter [tilespmem:s13], [sflag:$0x8], $0x4000, $0x38;
	[tilespmem:$0x18400] =	vst v63  }
0x14e: {  	_ =	swait.ge [sflag:s9], $0x4000  }
0x14f: {  	[sflag:s9] =	ssyncset.done $0x0  }
0x150: {  	[sflag:s9] =	ssyncadd.s32 $0xFFFFC000  }
0x151: {  	[tilespmem:s13], [sflag:$0x2] =	stream.indirect.gather [hbm4b:s3+s20], $0x80, s26, s20, $0xb8;
	[tilespmem:$0x18400] =	vst v63  }
0x152: {  	_ =	swait.ge [sflag:s16], $0x4000  }
0x153: {  	[sflag:s16] =	ssyncset.done $0x0  }
0x154: {  	s29 =	rddreg [dreg:$0x7];
	[sflag:s16] =	ssyncadd.s32 $0xFFFFC000  }
0x155: {  	[hbm4b:s29+s2] =	stream.linear.scatter [tilespmem:s12], [sflag:$0x9], $0x4000, $0x38;
	[tilespmem:$0x18400] =	vst v63  }
0x156: {  	_ =	swait.ge [sflag:s6], $0x4000  }
0x157: {  	[sflag:s6] =	ssyncset.done $0x0  }
0x158: {  	s30 =	simm.s32 $0x200;
	[sflag:s6] =	ssyncadd.s32 $0xFFFFC000  }
0x159: {  	[tilespmem:s12], [sflag:$0x3] =	stream.indirect.gather [hbm4b:s4+s20], $0x80, s30, s20, $0xb8;
	[tilespmem:$0x18400] =	vst v63  }
0x15a: {  	_ =	swait.ge [sflag:s15], $0x4000  }
0x15b: {  	[sflag:s15] =	ssyncset.done $0x0  }
0x15c: {  	s31 =	rddreg [dreg:$0x8];
	[sflag:s15] =	ssyncadd.s32 $0xFFFFC000  }
0x15d: {  	[hbm4b:s31+s2] =	stream.linear.scatter [tilespmem:s5], [sflag:$0xA], $0x4000, $0x38;
	[tilespmem:$0x18400] =	vst v63  }
0x15e: {  	_ =	swait.ge [sflag:s7], $0x4000  }
0x15f: {  	[sflag:s7] =	ssyncset.done $0x0  }
0x160: {  	[sflag:s7] =	ssyncadd.s32 $0xFFFFC000  }
0x161: {  	[tilespmem:s5], [sflag:$0x4] =	stream.indirect.gather [hbm4b:s3+s20], $0x80, s30, s20, $0xb8;
	[tilespmem:$0x18400] =	vst v63  }
0x162: {  	_ =	swait.ge [sflag:s23], $0x4000  }
0x163: {  	[sflag:s23] =	ssyncset.done $0x0  }
0x164: {  	s1 =	rddreg [dreg:$0x9];
	[sflag:s23] =	ssyncadd.s32 $0xFFFFC000  }
0x165: {  	[hbm4b:s1+s2] =	stream.linear.scatter [tilespmem:s21], [sflag:$0xB], $0x4000, $0x38;
	[tilespmem:$0x18400] =	vst v63  }
0x166: {  	_ =	swait.ge [sflag:s10], $0x4000  }
0x167: {  	[sflag:s10] =	ssyncset.done $0x0  }
0x168: {  	s24 =	simm.s32 $0x280;
	[sflag:s10] =	ssyncadd.s32 $0xFFFFC000  }
0x169: {  	[tilespmem:s21], [sflag:$0x5] =	stream.indirect.gather [hbm4b:s4+s20], $0x80, s24, s20, $0xb8;
	[tilespmem:$0x18400] =	vst v63  }
0x16a: {  	_ =	swait.ge [sflag:s22], $0x4000  }
0x16b: {  	[sflag:s22] =	ssyncset.done $0x0  }
0x16c: {  	s25 =	rddreg [dreg:$0xa];
	[sflag:s22] =	ssyncadd.s32 $0xFFFFC000  }
0x16d: {  	[hbm4b:s25+s2] =	stream.linear.scatter [tilespmem:s19], [sflag:$0xC], $0x4000, $0x38;
	[tilespmem:$0x18400] =	vst v63  }
0x16e: {  	_ =	swait.ge [sflag:s11], $0x4000  }
0x16f: {  	[sflag:s11] =	ssyncset.done $0x0  }
0x170: {  	[sflag:s11] =	ssyncadd.s32 $0xFFFFC000  }
0x171: {  	[tilespmem:s19], [sflag:$0x6] =	stream.indirect.gather [hbm4b:s3+s20], $0x80, s24, s20, $0xb8;
	[tilespmem:$0x18400] =	vst v63  }
0x172: {  	_ =	swait.ge [sflag:s18], $0x4000  }
0x173: {  	[sflag:s18] =	ssyncset.done $0x0  }
0x174: {  	s26 =	rddreg [dreg:$0xb];
	[sflag:s18] =	ssyncadd.s32 $0xFFFFC000  }
0x175: {  	[hbm4b:s26+s2] =	stream.linear.scatter [tilespmem:s14], [sflag:$0x7], $0x4000, $0x38;
	[tilespmem:$0x18400] =	vst v63  }
0x176: {  	_ =	swait.ge [sflag:s8], $0x4000  }
0x177: {  	[sflag:s8] =	ssyncset.done $0x0  }
0x178: {  	s28 =	simm.s32 $0x300;
	[sflag:s8] =	ssyncadd.s32 $0xFFFFC000  }
0x179: {  	[tilespmem:s14], [sflag:$0x1] =	stream.indirect.gather [hbm4b:s4+s20], $0x80, s28, s20, $0xb8;
	[tilespmem:$0x18400] =	vst v63  }
0x17a: {  	_ =	swait.ge [sflag:s17], $0x4000  }
0x17b: {  	[sflag:s17] =	ssyncset.done $0x0  }
0x17c: {  	s29 =	rddreg [dreg:$0xc];
	[sflag:s17] =	ssyncadd.s32 $0xFFFFC000  }
0x17d: {  	[hbm4b:s29+s2] =	stream.linear.scatter [tilespmem:s13], [sflag:$0x8], $0x4000, $0x38;
	[tilespmem:$0x18400] =	vst v63  }
0x17e: {  	_ =	swait.ge [sflag:s9], $0x4000  }
0x17f: {  	[sflag:s9] =	ssyncset.done $0x0  }
0x180: {  	[sflag:s9] =	ssyncadd.s32 $0xFFFFC000  }
0x181: {  	[tilespmem:s13], [sflag:$0x2] =	stream.indirect.gather [hbm4b:s3+s20], $0x80, s28, s20, $0xb8;
	[tilespmem:$0x18400] =	vst v63  }
0x182: {  	_ =	swait.ge [sflag:s16], $0x4000  }
0x183: {  	[sflag:s16] =	ssyncset.done $0x0  }
0x184: {  	s30 =	rddreg [dreg:$0xd];
	[sflag:s16] =	ssyncadd.s32 $0xFFFFC000  }
0x185: {  	[hbm4b:s30+s2] =	stream.linear.scatter [tilespmem:s12], [sflag:$0x9], $0x4000, $0x38;
	[tilespmem:$0x18400] =	vst v63  }
0x186: {  	_ =	swait.ge [sflag:s6], $0x4000  }
0x187: {  	[sflag:s6] =	ssyncset.done $0x0  }
0x188: {  	s31 =	simm.s32 $0x380;
	[sflag:s6] =	ssyncadd.s32 $0xFFFFC000  }
0x189: {  	[tilespmem:s12], [sflag:$0x3] =	stream.indirect.gather [hbm4b:s4+s20], $0x80, s31, s20, $0xb8;
	[tilespmem:$0x18400] =	vst v63  }
0x18a: {  	_ =	swait.ge [sflag:s15], $0x4000  }
0x18b: {  	[sflag:s15] =	ssyncset.done $0x0  }
0x18c: {  	s4 =	rddreg [dreg:$0xe];
	[sflag:s15] =	ssyncadd.s32 $0xFFFFC000  }
0x18d: {  	[hbm4b:s4+s2] =	stream.linear.scatter [tilespmem:s5], [sflag:$0xA], $0x4000, $0x38;
	[tilespmem:$0x18400] =	vst v63  }
0x18e: {  	_ =	swait.ge [sflag:s7], $0x4000  }
0x18f: {  	[sflag:s7] =	ssyncset.done $0x0  }
0x190: {  	[sflag:s7] =	ssyncadd.s32 $0xFFFFC000  }
0x191: {  	[tilespmem:s5], [sflag:$0x4] =	stream.indirect.gather [hbm4b:s3+s20], $0x80, s31, s20, $0xb8;
	[tilespmem:$0x18400] =	vst v63  }
0x192: {  	_ =	swait.ge [sflag:s23], $0x4000  }
0x193: {  	[sflag:s23] =	ssyncset.done $0x0  }
0x194: {  	s24 =	rddreg [dreg:$0xf];
	[sflag:s23] =	ssyncadd.s32 $0xFFFFC000  }
0x195: {  	[hbm4b:s24+s2] =	stream.linear.scatter [tilespmem:s21], [sflag:$0xB], $0x4000, $0x38;
	[tilespmem:$0x18400] =	vst v63  }
0x196: {  	_ =	swait.ge [sflag:s22], $0x4000  }
0x197: {  	[sflag:s22] =	ssyncset.done $0x0  }
0x198: {  	s25 =	rddreg [dreg:$0x10];
	[sflag:s22] =	ssyncadd.s32 $0xFFFFC000  }
0x199: {  	[hbm4b:s25+s2] =	stream.linear.scatter [tilespmem:s19], [sflag:$0xC], $0x4000, $0x38;
	[tilespmem:$0x18400] =	vst v63  }
0x19a: {  	_ =	swait.ge [sflag:s18], $0x4000  }
0x19b: {  	[sflag:s18] =	ssyncset.done $0x0  }
0x19c: {  	s26 =	rddreg [dreg:$0x11];
	[sflag:s18] =	ssyncadd.s32 $0xFFFFC000  }
0x19d: {  	[hbm4b:s26+s2] =	stream.linear.scatter [tilespmem:s14], [sflag:$0x7], $0x4000, $0x38;
	[tilespmem:$0x18400] =	vst v63  }
0x19e: {  	_ =	swait.ge [sflag:s17], $0x4000  }
0x19f: {  	[sflag:s17] =	ssyncset.done $0x0  }
0x1a0: {  	s28 =	rddreg [dreg:$0x12];
	[sflag:s17] =	ssyncadd.s32 $0xFFFFC000  }
0x1a1: {  	[hbm4b:s28+s2] =	stream.linear.scatter [tilespmem:s13], [sflag:$0x8], $0x4000, $0x38;
	[tilespmem:$0x18400] =	vst v63  }
0x1a2: {  	_ =	swait.ge [sflag:s16], $0x4000  }
0x1a3: {  	[sflag:s16] =	ssyncset.done $0x0  }
0x1a4: {  	s29 =	rddreg [dreg:$0x13];
	[sflag:s16] =	ssyncadd.s32 $0xFFFFC000  }
0x1a5: {  	[hbm4b:s29+s2] =	stream.linear.scatter [tilespmem:s12], [sflag:$0x9], $0x4000, $0x38;
	[tilespmem:$0x18400] =	vst v63  }
0x1a6: {  	_ =	swait.ge [sflag:s15], $0x4000  }
0x1a7: {  	[sflag:s15] =	ssyncset.done $0x0  }
0x1a8: {  	s30 =	rddreg [dreg:$0x14];
	[sflag:s15] =	ssyncadd.s32 $0xFFFFC000  }
0x1a9: {  	[hbm4b:s30+s2] =	stream.linear.scatter [tilespmem:s5], [sflag:$0xA], $0x4000, $0x38;
	[tilespmem:$0x18400] =	vst v63  }
0x1aa: {  	_ =	swait.ge [sflag:s8], $0x4000  }
0x1ab: {  	[sflag:s8] =	ssyncset.done $0x0  }
0x1ac: {  	[sflag:s8] =	ssyncadd.s32 $0xFFFFC000  }
0x1ad: {  	_ =	swait.ge [sflag:s9], $0x4000  }
0x1ae: {  	[sflag:s9] =	ssyncset.done $0x0  }
0x1af: {  	[sflag:s9] =	ssyncadd.s32 $0xFFFFC000  }
0x1b0: {  	_ =	swait.ge [sflag:s6], $0x4000  }
0x1b1: {  	[sflag:s6] =	ssyncset.done $0x0  }
0x1b2: {  	[sflag:s6] =	ssyncadd.s32 $0xFFFFC000  }
0x1b3: {  	_ =	swait.ge [sflag:s7], $0x4000  }
0x1b4: {  	[sflag:s7] =	ssyncset.done $0x0  }
0x1b5: {  	[sflag:s7] =	ssyncadd.s32 $0xFFFFC000  }
0x1b6: {  	_ =	swait.ge [sflag:s10], $0x4000  }
0x1b7: {  	[sflag:s10] =	ssyncset.done $0x0  }
0x1b8: {  	[sflag:s10] =	ssyncadd.s32 $0xFFFFC000  }
0x1b9: {  	_ =	swait.ge [sflag:s11], $0x4000  }
0x1ba: {  	[sflag:s11] =	ssyncset.done $0x0  }
0x1bb: {  	[sflag:s11] =	ssyncadd.s32 $0xFFFFC000  }
0x1bc: {  	_ =	sfence.sel $0x180000  }
0x1bd: {  	[bflag:$0x0] =	sbarrier.arrive $0xFFFF  }
0x1be: {  	_ =	strace $0x90000047  }
0x1bf: {  	s31 =	stileid.u32;
	[bflag:$0x2] =	sbarrier.arrive $0xFFFF  }
0x1c0: {  	p0 =	sne.s32 s31, $0x0;
	s0 =	rddreg [dreg:$0x4]  }
0x1c1: {  	s0 =	sadd.s32 @!p0 $0x100000, s0  }
0x1c2: {  	[sflag:s0] =	ssyncadd.tile.s32 @!p0 $0x1;
	_ =	shalt  }
.LBB2_1:
.Ltmp3:
0x1c3: {  	(pc) =	sbr.rel .LBB2_6-.Ltmp3, $2  }
0x1c4: {  	_ =	sdelay $0x2  }
0x1c5: {  	s0 =	rddreg [dreg:$0x15]  }
.LBB2_3:
.Ltmp4:
0x1c6: {  	(pc) =	sbr.rel .LBB2_6-.Ltmp4, $2  }
0x1c7: {  	_ =	sdelay $0x2  }
0x1c8: {  	s0 =	rddreg [dreg:$0x15]  }
.Lfunc_end2:
_tile_overlayer_lowered:
.L_overlay_start_2:
0x1c9: {  	(tag) =	ssettag $0x2  }
0x1ca: {  	s0 =	rddreg [dreg:$0x0];
	s2 =	stileid.u32  }
0x1cb: {  	s1 =	rddreg [dreg:$0x1];
	p0 =	sne.s32 s2, $0x0  }
0x1cc: {  	s3 =	rddreg [dreg:$0x2];
	[bflag:$0x3] =	sbarrier.arrive $0xFFFF;
	s2 =	simm.s32 @!p0 $0x1C0D  }
0x1cd: {  	[timem:s3], [sflag:s2] =	dma.local @!p0 [hbm:s0], s1  }
0x1ce: {  	s0 =	simm.s32 @!p0 $0xD  }
0x1cf: {  	_ =	swait.ge @!p0 [sflag:s0], s1  }
0x1d0: {  	s1 =	ssub.s32 @!p0 $0x0, s1;
	[sflag:s0] =	ssyncset.done @!p0 $0x0  }
0x1d1: {  	[sflag:s0] =	ssyncadd.s32 @!p0 s1  }
0x1d2: {  	[bflag:$0x3] =	sbarrier.arrive $0xFFFF  }
0x1d3: {  	_ =	shalt  }

</sc_bundles>
